<compile_context>
chip_gen: v7x
topology: tpu7x:2x2x1
jax: 0.10.2.dev20260603
libtpu: 0.0.44.dev20260713+nightly
codegen_flags: <defaults>
</compile_context>

<pallas_src>
import functools

import jax
import jax.numpy as jnp
from jax.experimental import pallas as pl
from jax.experimental.pallas import tpu as pltpu

_B = 64
_C_IN = 3
_IMG = 224
_PATCH = 16
_NP = (_IMG // _PATCH) ** 2
_D = 768
_D_FF = 3072
_M = 8
_K = 2
_HOPS = 4
_NCLS = 1000
_CPP = _C_IN * _PATCH * _PATCH
_A = _B * _K
_EPS = 1e-6


def _patch_body(xp_ref, w_ref, b_ref, pos_ref, rw_ref, h_ref, log_ref):
    t = xp_ref[0]
    hb = jnp.dot(t, w_ref[...], preferred_element_type=jnp.float32)
    hb = hb + b_ref[0] + pos_ref[0]
    h_ref[0] = hb
    hbar = jnp.mean(hb, axis=0, keepdims=True)
    log_ref[0] = jnp.dot(hbar, rw_ref[...], preferred_element_type=jnp.float32)


def _patch_embed(xp, patch_W, patch_b2, pos_embed, rw0):
    return pl.pallas_call(
        _patch_body,
        grid=(_B,),
        in_specs=[
            pl.BlockSpec((1, _NP, _CPP), lambda b: (b, 0, 0)),
            pl.BlockSpec((_CPP, _D), lambda b: (0, 0)),
            pl.BlockSpec((1, _D), lambda b: (0, 0)),
            pl.BlockSpec((1, _NP, _D), lambda b: (0, 0, 0)),
            pl.BlockSpec((_D, _M), lambda b: (0, 0)),
        ],
        out_specs=[
            pl.BlockSpec((1, _NP, _D), lambda b: (b, 0, 0)),
            pl.BlockSpec((1, 1, _M), lambda b: (b, 0, 0)),
        ],
        out_shape=[
            jax.ShapeDtypeStruct((_B, _NP, _D), jnp.float32),
            jax.ShapeDtypeStruct((_B, 1, _M), jnp.float32),
        ],
    )(xp, patch_W, patch_b2, pos_embed, rw0)


_C = 4
_PP = _A + _M * (_C - 1)
_NCH = _PP // _C


def _expert_body(bs_ref, ec_ref, af_ref, h0_ref, h1_ref, h2_ref, h3_ref,
                 lg_ref, lb_ref, w1_ref, b1_ref, w2_ref, b2_ref, out_ref):
    c = pl.program_id(0)

    @pl.when(af_ref[c] != 0)
    def _():
        for i, href in enumerate((h0_ref, h1_ref, h2_ref, h3_ref)):
            x = href[0]
            mu = jnp.mean(x, axis=-1, keepdims=True)
            xc = x - mu
            var = jnp.mean(xc * xc, axis=-1, keepdims=True)
            xln = xc * jax.lax.rsqrt(var + _EPS) * lg_ref[0] + lb_ref[0]
            h1 = jnp.dot(xln.astype(jnp.bfloat16), w1_ref[0],
                         preferred_element_type=jnp.float32)
            h1 = jax.nn.gelu((h1 + b1_ref[0]).astype(jnp.bfloat16))
            y = jnp.dot(h1, w2_ref[0],
                        preferred_element_type=jnp.float32) + b2_ref[0]
            out_ref[i] = y.astype(jnp.bfloat16)


def _expert_mlp(bs_pad, ec, af, h, ln_g3, ln_b3, W1, b13, W2, b23):
    hspec = [
        pl.BlockSpec((1, _NP, _D),
                     functools.partial(
                         lambda i, c, bs, ec, af: (bs[_C * c + i], 0, 0), i))
        for i in range(_C)
    ]
    grid_spec = pltpu.PrefetchScalarGridSpec(
        num_scalar_prefetch=3,
        grid=(_NCH,),
        in_specs=hspec + [
            pl.BlockSpec((1, 1, _D), lambda c, bs, ec, af: (ec[c], 0, 0)),
            pl.BlockSpec((1, 1, _D), lambda c, bs, ec, af: (ec[c], 0, 0)),
            pl.BlockSpec((1, _D, _D_FF), lambda c, bs, ec, af: (ec[c], 0, 0)),
            pl.BlockSpec((1, 1, _D_FF), lambda c, bs, ec, af: (ec[c], 0, 0)),
            pl.BlockSpec((1, _D_FF, _D), lambda c, bs, ec, af: (ec[c], 0, 0)),
            pl.BlockSpec((1, 1, _D), lambda c, bs, ec, af: (ec[c], 0, 0)),
        ],
        out_specs=pl.BlockSpec((_C, _NP, _D), lambda c, bs, ec, af: (c, 0, 0)),
    )
    return pl.pallas_call(
        _expert_body,
        grid_spec=grid_spec,
        out_shape=jax.ShapeDtypeStruct((_PP, _NP, _D), jnp.bfloat16),
    )(bs_pad, ec, af, h, h, h, h, ln_g3, ln_b3, W1, b13, W2, b23)


def _combine_body(p0_ref, p1_ref, h_ref, o0_ref, o1_ref, w0_ref, w1_ref,
                  rw_ref, h_out, log_ref):
    w0 = w0_ref[0, 0, 0]
    w1 = w1_ref[0, 0, 0]
    hn = (w0 + w1) * h_ref[0] + w0 * o0_ref[0] + w1 * o1_ref[0]
    h_out[0] = hn
    hbar = jnp.mean(hn, axis=0, keepdims=True)
    log_ref[0] = jnp.dot(hbar, rw_ref[...], preferred_element_type=jnp.float32)


def _combine(pos0, pos1, h, outbuf, w0, w1, rw_next):
    grid_spec = pltpu.PrefetchScalarGridSpec(
        num_scalar_prefetch=2,
        grid=(_B,),
        in_specs=[
            pl.BlockSpec((1, _NP, _D), lambda b, p0, p1: (b, 0, 0)),
            pl.BlockSpec((1, _NP, _D), lambda b, p0, p1: (p0[b], 0, 0)),
            pl.BlockSpec((1, _NP, _D), lambda b, p0, p1: (p1[b], 0, 0)),
            pl.BlockSpec((1, 1, 1), lambda b, p0, p1: (b, 0, 0)),
            pl.BlockSpec((1, 1, 1), lambda b, p0, p1: (b, 0, 0)),
            pl.BlockSpec((_D, _M), lambda b, p0, p1: (0, 0)),
        ],
        out_specs=[
            pl.BlockSpec((1, _NP, _D), lambda b, p0, p1: (b, 0, 0)),
            pl.BlockSpec((1, 1, _M), lambda b, p0, p1: (b, 0, 0)),
        ],
    )
    return pl.pallas_call(
        _combine_body,
        grid_spec=grid_spec,
        out_shape=[
            jax.ShapeDtypeStruct((_B, _NP, _D), jnp.float32),
            jax.ShapeDtypeStruct((_B, 1, _M), jnp.float32),
        ],
    )(pos0, pos1, h, outbuf, outbuf, w0, w1, rw_next)


def _final_body(p0_ref, p1_ref, h_ref, o0_ref, o1_ref, w0_ref, w1_ref,
                hw_ref, log_ref):
    w0 = w0_ref[0, 0, 0]
    w1 = w1_ref[0, 0, 0]
    hn = (w0 + w1) * h_ref[0] + w0 * o0_ref[0] + w1 * o1_ref[0]
    hbar = jnp.mean(hn, axis=0, keepdims=True)
    log_ref[0] = jnp.dot(hbar, hw_ref[...], preferred_element_type=jnp.float32)


def _final_combine(pos0, pos1, h, outbuf, w0, w1, head_W):
    grid_spec = pltpu.PrefetchScalarGridSpec(
        num_scalar_prefetch=2,
        grid=(_B,),
        in_specs=[
            pl.BlockSpec((1, _NP, _D), lambda b, p0, p1: (b, 0, 0)),
            pl.BlockSpec((1, _NP, _D), lambda b, p0, p1: (p0[b], 0, 0)),
            pl.BlockSpec((1, _NP, _D), lambda b, p0, p1: (p1[b], 0, 0)),
            pl.BlockSpec((1, 1, 1), lambda b, p0, p1: (b, 0, 0)),
            pl.BlockSpec((1, 1, 1), lambda b, p0, p1: (b, 0, 0)),
            pl.BlockSpec((_D, _NCLS), lambda b, p0, p1: (0, 0)),
        ],
        out_specs=pl.BlockSpec((1, 1, _NCLS), lambda b, p0, p1: (b, 0, 0)),
    )
    return pl.pallas_call(
        _final_body,
        grid_spec=grid_spec,
        out_shape=jax.ShapeDtypeStruct((_B, 1, _NCLS), jnp.float32),
    )(pos0, pos1, h, outbuf, outbuf, w0, w1, head_W)


def _route(logits3):
    logits = logits3[:, 0, :]
    probs = jax.nn.softmax(logits, axis=-1)
    top_vals, top_idx = jax.lax.top_k(probs, _K)
    sw = top_vals / (jnp.sum(top_vals, axis=-1, keepdims=True) + 1e-6)
    e_flat = top_idx.reshape(_A).astype(jnp.int32)
    order = jnp.argsort(e_flat).astype(jnp.int32)
    b_sorted = (order // _K).astype(jnp.int32)
    e_sorted = e_flat[order]

    counts = jnp.bincount(e_flat, length=_M)
    pc = ((counts + _C - 1) // _C) * _C
    cum_pc = jnp.cumsum(pc)
    start = (cum_pc - pc).astype(jnp.int32)
    off = (jnp.cumsum(counts) - counts).astype(jnp.int32)
    ii = jnp.arange(_A, dtype=jnp.int32)
    pad_pos = (start[e_sorted] + (ii - off[e_sorted])).astype(jnp.int32)

    bs_pad = jnp.zeros((_PP,), jnp.int32).at[pad_pos].set(b_sorted)
    cb = (cum_pc // _C).astype(jnp.int32)
    cidx = jnp.arange(_NCH, dtype=jnp.int32)
    ec = jnp.clip(jnp.searchsorted(cb, cidx, side='right'),
                  0, _M - 1).astype(jnp.int32)
    af = (cidx < cb[_M - 1]).astype(jnp.int32)

    inv = jnp.zeros((_A,), jnp.int32).at[order].set(pad_pos)
    pos0 = inv[0::2]
    pos1 = inv[1::2]
    w0 = sw[:, 0].reshape(_B, 1, 1)
    w1 = sw[:, 1].reshape(_B, 1, 1)
    return bs_pad, ec, af, pos0, pos1, w0, w1


@functools.partial(jax.jit)
def kernel(x, patch_W, patch_b, pos_embed, router_W, ln_g, ln_b,
           W1, b1, W2, b2, head_W):
    g = _IMG // _PATCH
    xp = x.reshape(_B, _C_IN, g, _PATCH, g, _PATCH)
    xp = xp.transpose(0, 2, 4, 1, 3, 5).reshape(_B, _NP, _CPP)
    patch_b2 = patch_b.reshape(1, _D)
    ln_g3 = ln_g.reshape(_M, 1, _D)
    ln_b3 = ln_b.reshape(_M, 1, _D)
    b13 = b1.reshape(_M, 1, _D_FF).astype(jnp.bfloat16)
    b23 = b2.reshape(_M, 1, _D)
    W1c = W1.astype(jnp.bfloat16)
    W2c = W2.astype(jnp.bfloat16)

    h, logits = _patch_embed(xp, patch_W, patch_b2, pos_embed, router_W[0])

    for hop in range(_HOPS):
        bs_pad, ec, af, pos0, pos1, w0, w1 = _route(logits)
        outbuf = _expert_mlp(bs_pad, ec, af, h, ln_g3, ln_b3, W1c, b13,
                             W2c, b23)
        if hop < _HOPS - 1:
            h, logits = _combine(pos0, pos1, h, outbuf, w0, w1,
                                 router_W[hop + 1])
        else:
            out = _final_combine(pos0, pos1, h, outbuf, w0, w1, head_W)
    return out.reshape(_B, _NCLS)

# --- scband reference (transcript-rebuilt; emitter-appended) ---
"""Pipeline reference for scband-dna-74972949119346 (READ-ONLY COPY).

The authoritative reference and input builder live on the scoring server;
editing this copy changes nothing except your own understanding.
"""

import jax, jax.numpy as jnp
import numpy as np
import math

# Config (mirrors init_kwargs)
B = 64
C_IN = 3
IMG = 224
PATCH = 16
NP_ = (IMG // PATCH) ** 2  # 196 patches
D = 768
N_HEADS = 12
D_H = D // N_HEADS
MLP_RATIO = 4.0
D_FF = int(D * MLP_RATIO)
N_MODULES = 8
TOP_K = 2
MAX_PATH_LEN = 4
NUM_CLASSES = 1000
TEMP = 1.0


def _norm(key, shape, std=0.02):
    return jax.random.normal(key, shape, dtype=jnp.float32) * std


def setup_inputs(seed: int = 0) -> dict:
    key = jax.random.key(seed)
    ks = jax.random.split(key, 64)
    inp = {}
    inp["x"] = jax.random.normal(ks[0], (B, C_IN, IMG, IMG), dtype=jnp.float32)
    # Patch embedding: conv implemented as linear over flattened patches
    inp["patch_W"] = _norm(ks[1], (C_IN * PATCH * PATCH, D))
    inp["patch_b"] = jnp.zeros((D,), dtype=jnp.float32)
    inp["pos_embed"] = _norm(ks[2], (1, NP_, D))
    # Routers: one linear router per hop
    inp["router_W"] = _norm(ks[3], (MAX_PATH_LEN, D, N_MODULES))
    # Expert modules: transformer-block-like MLP experts with layernorm
    # Each module: LN -> Linear(D, D_FF) -> GELU -> Linear(D_FF, D) residual
    inp["ln_g"] = jnp.ones((N_MODULES, D), dtype=jnp.float32)
    inp["ln_b"] = jnp.zeros((N_MODULES, D), dtype=jnp.float32)
    inp["W1"] = _norm(ks[4], (N_MODULES, D, D_FF))
    inp["b1"] = jnp.zeros((N_MODULES, D_FF), dtype=jnp.float32)
    inp["W2"] = _norm(ks[5], (N_MODULES, D_FF, D))
    inp["b2"] = jnp.zeros((N_MODULES, D), dtype=jnp.float32)
    inp["head_W"] = _norm(ks[6], (D, NUM_CLASSES))
    return inp


def _layernorm(x, g, b, eps=1e-6):
    mu = jnp.mean(x, axis=-1, keepdims=True)
    var = jnp.var(x, axis=-1, keepdims=True)
    return (x - mu) * jax.lax.rsqrt(var + eps) * g + b


def _expert_apply(x, ln_g, ln_b, W1, b1, W2, b2):
    # x: [B, N, D]; per-expert MLP with pre-LN and residual
    h = _layernorm(x, ln_g, ln_b)
    h = jnp.dot(h, W1) + b1
    h = jax.nn.gelu(h)
    h = jnp.dot(h, W2) + b2
    return x + h


def reference(x, patch_W, patch_b, pos_embed, router_W,
              ln_g, ln_b, W1, b1, W2, b2, head_W):
    # Patch embedding: [B, C, H, W] -> [B, NP, C*P*P] -> [B, NP, D]
    g = IMG // PATCH
    xp = x.reshape(B, C_IN, g, PATCH, g, PATCH)
    xp = xp.transpose(0, 2, 4, 1, 3, 5).reshape(B, NP_, C_IN * PATCH * PATCH)
    h = jnp.dot(xp, patch_W) + patch_b
    h = h + pos_embed

    for hop in range(MAX_PATH_LEN):
        # Router: per-token logits over modules, pooled per-image routing
        router_logits = jnp.dot(h, router_W[hop])  # [B, NP, M]
        pooled = jnp.mean(router_logits, axis=1)   # [B, M]
        probs = jax.nn.softmax(pooled / TEMP, axis=-1)  # [B, M]
        top_vals, top_idx = jax.lax.top_k(probs, TOP_K)  # [B, K]
        sel_weights = top_vals / (jnp.sum(top_vals, axis=-1, keepdims=True) + 1e-6)

        # Apply all experts, combine via one-hot dispatch (dense moe math)
        expert_outs = jax.vmap(
            lambda lg, lb, w1, bb1, w2, bb2: _expert_apply(h, lg, lb, w1, bb1, w2, bb2)
        )(ln_g, ln_b, W1, b1, W2, b2)  # [M, B, NP, D]

        # Gather selected experts per batch element
        # one_hot combine: [B, K, M]
        oh = jax.nn.one_hot(top_idx, N_MODULES, dtype=h.dtype)  # [B, K, M]
        combine = jnp.einsum('bk,bkm->bm', sel_weights, oh)  # [B, M]
        h = jnp.einsum('bm,mbnd->bnd', combine, expert_outs)

    pooled = jnp.mean(h, axis=1)  # [B, D]
    logits = jnp.dot(pooled, head_W)  # [B, NUM_CLASSES]
    return logits

if __name__ == "__main__":
    import jax
    _d = setup_inputs()
    print(jax.jit(kernel)(*tuple(_d.values())))

</pallas_src>

<mosaic_0001>
module attributes {stable_mosaic.version = 14 : i64} {
  func.func @_patch_body(%arg0: i32, %arg1: memref<1x196x768xf32, #tpu.memory_space<vmem>>, %arg2: memref<768x768xf32, #tpu.memory_space<vmem>>, %arg3: memref<1x768xf32, #tpu.memory_space<vmem>>, %arg4: memref<1x196x768xf32, #tpu.memory_space<vmem>>, %arg5: memref<768x8xf32, #tpu.memory_space<vmem>>, %arg6: memref<1x196x768xf32, #tpu.memory_space<vmem>>, %arg7: memref<1x1x8xf32, #tpu.memory_space<vmem>>) attributes {dimension_semantics = [#tpu.dimension_semantics<arbitrary>], iteration_bounds = array<i64: 64>, scalar_prefetch = 0 : i64, scratch_operands = 0 : i64, tpu.core_type = #tpu.core_type<tc>, window_params = [{transform_indices = @transform_0, window_bounds = array<i64: 1, 196, 768>}, {pipeline_mode = #tpu.pipeline_mode<synchronous>, transform_indices = @transform_1, window_bounds = array<i64: 768, 768>}, {pipeline_mode = #tpu.pipeline_mode<synchronous>, transform_indices = @transform_2, window_bounds = array<i64: 1, 768>}, {pipeline_mode = #tpu.pipeline_mode<synchronous>, transform_indices = @transform_3, window_bounds = array<i64: 1, 196, 768>}, {pipeline_mode = #tpu.pipeline_mode<synchronous>, transform_indices = @transform_4, window_bounds = array<i64: 768, 8>}, {transform_indices = @transform_5, window_bounds = array<i64: 1, 196, 768>}, {transform_indices = @transform_6, window_bounds = array<i64: 1, 1, 8>}]} {
    %get3A = arith.constant 0 : index
    %get3A_0 = arith.constant 0 : index
    %get3A_1 = arith.constant 0 : index
    %get3A_2 = vector.load %arg1[%get3A, %get3A_0, %get3A_1] : memref<1x196x768xf32, #tpu.memory_space<vmem>>, vector<1x196x768xf32>
    %get3A_3 = vector.shape_cast %get3A_2 : vector<1x196x768xf32> to vector<196x768xf32>
    %get3A_4 = arith.constant 0 : index
    %get3A_5 = arith.constant 0 : index
    %get3A_6 = vector.load %arg2[%get3A_4, %get3A_5] : memref<768x768xf32, #tpu.memory_space<vmem>>, vector<768x768xf32>
    %dot_general3A = arith.constant dense<0.000000e+00> : vector<196x768xf32>
    %dot_general3A_7 = tpu.matmul %get3A_3, %get3A_6, %dot_general3A {dimension_numbers = #tpu.dot_dimension_numbers<[1], [0], [0], [1], [0, 0, 1, 1], [], []>, transpose_lhs_hint = false} : vector<196x768xf32>, vector<768x768xf32>, vector<196x768xf32> -> vector<196x768xf32>
    %get3A_8 = arith.constant 0 : index
    %get3A_9 = arith.constant 0 : index
    %get3A_10 = vector.load %arg3[%get3A_8, %get3A_9] : memref<1x768xf32, #tpu.memory_space<vmem>>, vector<1x768xf32>
    %get3A_11 = vector.shape_cast %get3A_10 : vector<1x768xf32> to vector<768xf32>
    %broadcast_in_dim3A = vector.shape_cast %get3A_11 : vector<768xf32> to vector<1x768xf32>
    %add3A = vector.broadcast %broadcast_in_dim3A : vector<1x768xf32> to vector<196x768xf32>
    %add3A_12 = arith.addf %dot_general3A_7, %add3A : vector<196x768xf32>
    %get3A_13 = arith.constant 0 : index
    %get3A_14 = arith.constant 0 : index
    %get3A_15 = arith.constant 0 : index
    %get3A_16 = vector.load %arg4[%get3A_13, %get3A_14, %get3A_15] : memref<1x196x768xf32, #tpu.memory_space<vmem>>, vector<1x196x768xf32>
    %get3A_17 = vector.shape_cast %get3A_16 : vector<1x196x768xf32> to vector<196x768xf32>
    %add3A_18 = arith.addf %add3A_12, %get3A_17 : vector<196x768xf32>
    %swap3A = arith.constant 0 : index
    %swap3A_19 = arith.constant 0 : index
    %swap3A_20 = arith.constant 0 : index
    %swap3A_21 = vector.load %arg6[%swap3A, %swap3A_19, %swap3A_20] : memref<1x196x768xf32, #tpu.memory_space<vmem>>, vector<1x196x768xf32>
    %swap3A_22 = vector.shape_cast %swap3A_21 : vector<1x196x768xf32> to vector<196x768xf32>
    %swap3A_23 = vector.shape_cast %add3A_18 : vector<196x768xf32> to vector<1x196x768xf32>
    tpu.vector_store %arg6[%swap3A, %swap3A_19, %swap3A_20], %swap3A_23 {strides = array<i32>} : memref<1x196x768xf32, #tpu.memory_space<vmem>>, vector<1x196x768xf32>,
    %reduce_sum3A = arith.constant dense<0.000000e+00> : vector<768xf32>
    %reduce_sum3A_24 = vector.multi_reduction <add>, %add3A_18, %reduce_sum3A [0] : vector<196x768xf32> to vector<768xf32>
    %broadcast_in_dim3A_25 = vector.shape_cast %reduce_sum3A_24 : vector<768xf32> to vector<1x768xf32>
    %div3A = arith.constant 1.960000e+02 : f32
    %div3A_26 = vector.broadcast %div3A : f32 to vector<1x768xf32>
    %div3A_27 = arith.divf %broadcast_in_dim3A_25, %div3A_26 : vector<1x768xf32>
    %get3A_28 = arith.constant 0 : index
    %get3A_29 = arith.constant 0 : index
    %get3A_30 = vector.load %arg5[%get3A_28, %get3A_29] : memref<768x8xf32, #tpu.memory_space<vmem>>, vector<768x8xf32>
    %dot_general3A_31 = arith.constant dense<0.000000e+00> : vector<1x8xf32>
    %dot_general3A_32 = tpu.matmul %div3A_27, %get3A_30, %dot_general3A_31 {dimension_numbers = #tpu.dot_dimension_numbers<[1], [0], [0], [1], [0, 0, 1, 1], [], []>, transpose_lhs_hint = false} : vector<1x768xf32>, vector<768x8xf32>, vector<1x8xf32> -> vector<1x8xf32>
    %swap3A_33 = arith.constant 0 : index
    %swap3A_34 = arith.constant 0 : index
    %swap3A_35 = arith.constant 0 : index
    %swap3A_36 = vector.load %arg7[%swap3A_33, %swap3A_34, %swap3A_35] : memref<1x1x8xf32, #tpu.memory_space<vmem>>, vector<1x1x8xf32>
    %swap3A_37 = vector.shape_cast %swap3A_36 : vector<1x1x8xf32> to vector<1x8xf32>
    %swap3A_38 = vector.shape_cast %dot_general3A_32 : vector<1x8xf32> to vector<1x1x8xf32>
    tpu.vector_store %arg7[%swap3A_33, %swap3A_34, %swap3A_35], %swap3A_38 {strides = array<i32>} : memref<1x1x8xf32, #tpu.memory_space<vmem>>, vector<1x1x8xf32>,
    return
  }
  func.func @transform_0(%arg0: i32) -> (i32, i32, i32) {
    %c0_i32 = arith.constant 0 : i32
    %c0_i32_0 = arith.constant 0 : i32
    %c0_i32_1 = arith.constant 0 : i32
    return %arg0, %c0_i32, %c0_i32_0 : i32, i32, i32
  }
  func.func @transform_1(%arg0: i32) -> (i32, i32) {
    %c0_i32 = arith.constant 0 : i32
    %c0_i32_0 = arith.constant 0 : i32
    %c0_i32_1 = arith.constant 0 : i32
    return %c0_i32, %c0_i32_0 : i32, i32
  }
  func.func @transform_2(%arg0: i32) -> (i32, i32) {
    %c0_i32 = arith.constant 0 : i32
    %c0_i32_0 = arith.constant 0 : i32
    %c0_i32_1 = arith.constant 0 : i32
    return %c0_i32, %c0_i32_0 : i32, i32
  }
  func.func @transform_3(%arg0: i32) -> (i32, i32, i32) {
    %c0_i32 = arith.constant 0 : i32
    %c0_i32_0 = arith.constant 0 : i32
    %c0_i32_1 = arith.constant 0 : i32
    %c0_i32_2 = arith.constant 0 : i32
    return %c0_i32, %c0_i32_0, %c0_i32_1 : i32, i32, i32
  }
  func.func @transform_4(%arg0: i32) -> (i32, i32) {
    %c0_i32 = arith.constant 0 : i32
    %c0_i32_0 = arith.constant 0 : i32
    %c0_i32_1 = arith.constant 0 : i32
    return %c0_i32, %c0_i32_0 : i32, i32
  }
  func.func @transform_5(%arg0: i32) -> (i32, i32, i32) {
    %c0_i32 = arith.constant 0 : i32
    %c0_i32_0 = arith.constant 0 : i32
    %c0_i32_1 = arith.constant 0 : i32
    return %arg0, %c0_i32, %c0_i32_0 : i32, i32, i32
  }
  func.func @transform_6(%arg0: i32) -> (i32, i32, i32) {
    %c0_i32 = arith.constant 0 : i32
    %c0_i32_0 = arith.constant 0 : i32
    %c0_i32_1 = arith.constant 0 : i32
    return %arg0, %c0_i32, %c0_i32_0 : i32, i32, i32
  }
}

module attributes {stable_mosaic.version = 14 : i64} {
  func.func @_expert_body(%arg0: i32, %arg1: memref<152xi32, #tpu.memory_space<smem>>, %arg2: memref<38xi32, #tpu.memory_space<smem>>, %arg3: memref<38xi32, #tpu.memory_space<smem>>, %arg4: memref<1x196x768xf32, #tpu.memory_space<vmem>>, %arg5: memref<1x196x768xf32, #tpu.memory_space<vmem>>, %arg6: memref<1x196x768xf32, #tpu.memory_space<vmem>>, %arg7: memref<1x196x768xf32, #tpu.memory_space<vmem>>, %arg8: memref<1x1x768xf32, #tpu.memory_space<vmem>>, %arg9: memref<1x1x768xf32, #tpu.memory_space<vmem>>, %arg10: memref<1x768x3072xbf16, #tpu.memory_space<vmem>>, %arg11: memref<1x1x3072xbf16, #tpu.memory_space<vmem>>, %arg12: memref<1x3072x768xbf16, #tpu.memory_space<vmem>>, %arg13: memref<1x1x768xf32, #tpu.memory_space<vmem>>, %arg14: memref<4x196x768xbf16, #tpu.memory_space<vmem>>) attributes {dimension_semantics = [#tpu.dimension_semantics<arbitrary>], iteration_bounds = array<i64: 38>, scalar_prefetch = 3 : i64, scratch_operands = 0 : i64, tpu.core_type = #tpu.core_type<tc>, window_params = [{transform_indices = @transform_0, window_bounds = array<i64: 1, 196, 768>}, {transform_indices = @transform_1, window_bounds = array<i64: 1, 196, 768>}, {transform_indices = @transform_2, window_bounds = array<i64: 1, 196, 768>}, {transform_indices = @transform_3, window_bounds = array<i64: 1, 196, 768>}, {transform_indices = @transform_4, window_bounds = array<i64: 1, 1, 768>}, {transform_indices = @transform_5, window_bounds = array<i64: 1, 1, 768>}, {transform_indices = @transform_6, window_bounds = array<i64: 1, 768, 3072>}, {transform_indices = @transform_7, window_bounds = array<i64: 1, 1, 3072>}, {transform_indices = @transform_8, window_bounds = array<i64: 1, 3072, 768>}, {transform_indices = @transform_9, window_bounds = array<i64: 1, 1, 768>}, {transform_indices = @transform_10, window_bounds = array<i64: 4, 196, 768>}]} {
    %get3A = arith.index_cast %arg0 : i32 to index
    %get3A_0 = memref.load %arg3[%get3A] : memref<38xi32, #tpu.memory_space<smem>>
    %ne3A = arith.constant 0 : i32
    %ne3A_1 = arith.cmpi ne, %get3A_0, %ne3A : i32
    %convert_element_type3A = arith.extui %ne3A_1 : i1 to i32
    %cond3A = arith.constant 0 : i32
    %cond3A_2 = arith.cmpi ne, %convert_element_type3A, %cond3A : i32
    scf.if %cond3A_2 {
      %get3A_3 = arith.constant 0 : index
      %get3A_4 = arith.constant 0 : index
      %get3A_5 = arith.constant 0 : index
      %get3A_6 = vector.load %arg4[%get3A_3, %get3A_4, %get3A_5] : memref<1x196x768xf32, #tpu.memory_space<vmem>>, vector<1x196x768xf32>
      %get3A_7 = vector.shape_cast %get3A_6 : vector<1x196x768xf32> to vector<196x768xf32>
      %reduce_sum3A = arith.constant dense<0.000000e+00> : vector<196xf32>
      %reduce_sum3A_8 = vector.multi_reduction <add>, %get3A_7, %reduce_sum3A [1] : vector<196x768xf32> to vector<196xf32>
      %broadcast_in_dim3A = vector.shape_cast %reduce_sum3A_8 : vector<196xf32> to vector<196x1xf32>
      %div3A = arith.constant 7.680000e+02 : f32
      %div3A_9 = vector.broadcast %div3A : f32 to vector<196x1xf32>
      %div3A_10 = arith.divf %broadcast_in_dim3A, %div3A_9 : vector<196x1xf32>
      %sub3A = vector.broadcast %div3A_10 : vector<196x1xf32> to vector<196x768xf32>
      %sub3A_11 = arith.subf %get3A_7, %sub3A : vector<196x768xf32>
      %mul3A = arith.mulf %sub3A_11, %sub3A_11 : vector<196x768xf32>
      %reduce_sum3A_12 = arith.constant dense<0.000000e+00> : vector<196xf32>
      %reduce_sum3A_13 = vector.multi_reduction <add>, %mul3A, %reduce_sum3A_12 [1] : vector<196x768xf32> to vector<196xf32>
      %broadcast_in_dim3A_14 = vector.shape_cast %reduce_sum3A_13 : vector<196xf32> to vector<196x1xf32>
      %div3A_15 = arith.constant 7.680000e+02 : f32
      %div3A_16 = vector.broadcast %div3A_15 : f32 to vector<196x1xf32>
      %div3A_17 = arith.divf %broadcast_in_dim3A_14, %div3A_16 : vector<196x1xf32>
      %add3A = arith.constant 9.99999997E-7 : f32
      %add3A_18 = vector.broadcast %add3A : f32 to vector<196x1xf32>
      %add3A_19 = arith.addf %div3A_17, %add3A_18 : vector<196x1xf32>
      %rsqrt3A = math.rsqrt %add3A_19 : vector<196x1xf32>
      %mul3A_20 = vector.broadcast %rsqrt3A : vector<196x1xf32> to vector<196x768xf32>
      %mul3A_21 = arith.mulf %sub3A_11, %mul3A_20 : vector<196x768xf32>
      %get3A_22 = arith.constant 0 : index
      %get3A_23 = arith.constant 0 : index
      %get3A_24 = arith.constant 0 : index
      %get3A_25 = vector.load %arg8[%get3A_22, %get3A_23, %get3A_24] : memref<1x1x768xf32, #tpu.memory_space<vmem>>, vector<1x1x768xf32>
      %get3A_26 = vector.shape_cast %get3A_25 : vector<1x1x768xf32> to vector<1x768xf32>
      %mul3A_27 = vector.broadcast %get3A_26 : vector<1x768xf32> to vector<196x768xf32>
      %mul3A_28 = arith.mulf %mul3A_21, %mul3A_27 : vector<196x768xf32>
      %get3A_29 = arith.constant 0 : index
      %get3A_30 = arith.constant 0 : index
      %get3A_31 = arith.constant 0 : index
      %get3A_32 = vector.load %arg9[%get3A_29, %get3A_30, %get3A_31] : memref<1x1x768xf32, #tpu.memory_space<vmem>>, vector<1x1x768xf32>
      %get3A_33 = vector.shape_cast %get3A_32 : vector<1x1x768xf32> to vector<1x768xf32>
      %add3A_34 = vector.broadcast %get3A_33 : vector<1x768xf32> to vector<196x768xf32>
      %add3A_35 = arith.addf %mul3A_28, %add3A_34 : vector<196x768xf32>
      %convert_element_type3A_36 = arith.truncf %add3A_35 : vector<196x768xf32> to vector<196x768xbf16>
      %get3A_37 = arith.constant 0 : index
      %get3A_38 = arith.constant 0 : index
      %get3A_39 = arith.constant 0 : index
      %get3A_40 = vector.load %arg10[%get3A_37, %get3A_38, %get3A_39] : memref<1x768x3072xbf16, #tpu.memory_space<vmem>>, vector<1x768x3072xbf16>
      %get3A_41 = vector.shape_cast %get3A_40 : vector<1x768x3072xbf16> to vector<768x3072xbf16>
      %dot_general3A = arith.constant dense<0.000000e+00> : vector<196x3072xf32>
      %dot_general3A_42 = tpu.matmul %convert_element_type3A_36, %get3A_41, %dot_general3A {dimension_numbers = #tpu.dot_dimension_numbers<[1], [0], [0], [1], [0, 0, 1, 1], [], []>, transpose_lhs_hint = false} : vector<196x768xbf16>, vector<768x3072xbf16>, vector<196x3072xf32> -> vector<196x3072xf32>
      %get3A_43 = arith.constant 0 : index
      %get3A_44 = arith.constant 0 : index
      %get3A_45 = arith.constant 0 : index
      %get3A_46 = vector.load %arg11[%get3A_43, %get3A_44, %get3A_45] : memref<1x1x3072xbf16, #tpu.memory_space<vmem>>, vector<1x1x3072xbf16>
      %get3A_47 = vector.shape_cast %get3A_46 : vector<1x1x3072xbf16> to vector<1x3072xbf16>
      %convert_element_type3A_48 = arith.extf %get3A_47 : vector<1x3072xbf16> to vector<1x3072xf32>
      %add3A_49 = vector.broadcast %convert_element_type3A_48 : vector<1x3072xf32> to vector<196x3072xf32>
      %add3A_50 = arith.addf %dot_general3A_42, %add3A_49 : vector<196x3072xf32>
      %convert_element_type3A_51 = arith.truncf %add3A_50 : vector<196x3072xf32> to vector<196x3072xbf16>
      %integer_pow3A = arith.mulf %convert_element_type3A_51, %convert_element_type3A_51 : vector<196x3072xbf16>
      %integer_pow3A_52 = arith.mulf %convert_element_type3A_51, %integer_pow3A : vector<196x3072xbf16>
      %mul3A_53 = arith.constant 4.467770e-02 : bf16
      %mul3A_54 = vector.broadcast %mul3A_53 : bf16 to vector<196x3072xbf16>
      %mul3A_55 = arith.mulf %mul3A_54, %integer_pow3A_52 : vector<196x3072xbf16>
      %add3A_56 = arith.addf %convert_element_type3A_51, %mul3A_55 : vector<196x3072xbf16>
      %mul3A_57 = arith.constant 7.968750e-01 : bf16
      %mul3A_58 = vector.broadcast %mul3A_57 : bf16 to vector<196x3072xbf16>
      %mul3A_59 = arith.mulf %mul3A_58, %add3A_56 : vector<196x3072xbf16>
      %tanh3A = math.tanh %mul3A_59 : vector<196x3072xbf16>
      %add3A_60 = arith.constant 1.000000e+00 : bf16
      %add3A_61 = vector.broadcast %add3A_60 : bf16 to vector<196x3072xbf16>
      %add3A_62 = arith.addf %add3A_61, %tanh3A : vector<196x3072xbf16>
      %mul3A_63 = arith.constant 5.000000e-01 : bf16
      %mul3A_64 = vector.broadcast %mul3A_63 : bf16 to vector<196x3072xbf16>
      %mul3A_65 = arith.mulf %mul3A_64, %add3A_62 : vector<196x3072xbf16>
      %mul3A_66 = arith.mulf %convert_element_type3A_51, %mul3A_65 : vector<196x3072xbf16>
      %get3A_67 = arith.constant 0 : index
      %get3A_68 = arith.constant 0 : index
      %get3A_69 = arith.constant 0 : index
      %get3A_70 = vector.load %arg12[%get3A_67, %get3A_68, %get3A_69] : memref<1x3072x768xbf16, #tpu.memory_space<vmem>>, vector<1x3072x768xbf16>
      %get3A_71 = vector.shape_cast %get3A_70 : vector<1x3072x768xbf16> to vector<3072x768xbf16>
      %dot_general3A_72 = arith.constant dense<0.000000e+00> : vector<196x768xf32>
      %dot_general3A_73 = tpu.matmul %mul3A_66, %get3A_71, %dot_general3A_72 {dimension_numbers = #tpu.dot_dimension_numbers<[1], [0], [0], [1], [0, 0, 1, 1], [], []>, transpose_lhs_hint = false} : vector<196x3072xbf16>, vector<3072x768xbf16>, vector<196x768xf32> -> vector<196x768xf32>
      %get3A_74 = arith.constant 0 : index
      %get3A_75 = arith.constant 0 : index
      %get3A_76 = arith.constant 0 : index
      %get3A_77 = vector.load %arg13[%get3A_74, %get3A_75, %get3A_76] : memref<1x1x768xf32, #tpu.memory_space<vmem>>, vector<1x1x768xf32>
      %get3A_78 = vector.shape_cast %get3A_77 : vector<1x1x768xf32> to vector<1x768xf32>
      %add3A_79 = vector.broadcast %get3A_78 : vector<1x768xf32> to vector<196x768xf32>
      %add3A_80 = arith.addf %dot_general3A_73, %add3A_79 : vector<196x768xf32>
      %convert_element_type3A_81 = arith.truncf %add3A_80 : vector<196x768xf32> to vector<196x768xbf16>
      %swap3A = arith.constant 0 : index
      %swap3A_82 = arith.constant 0 : index
      %swap3A_83 = arith.constant 0 : index
      %swap3A_84 = vector.load %arg14[%swap3A, %swap3A_82, %swap3A_83] : memref<4x196x768xbf16, #tpu.memory_space<vmem>>, vector<1x196x768xbf16>
      %swap3A_85 = vector.shape_cast %swap3A_84 : vector<1x196x768xbf16> to vector<196x768xbf16>
      %swap3A_86 = vector.shape_cast %convert_element_type3A_81 : vector<196x768xbf16> to vector<1x196x768xbf16>
      tpu.vector_store %arg14[%swap3A, %swap3A_82, %swap3A_83], %swap3A_86 {strides = array<i32>} : memref<4x196x768xbf16, #tpu.memory_space<vmem>>, vector<1x196x768xbf16>,
      %get3A_87 = arith.constant 0 : index
      %get3A_88 = arith.constant 0 : index
      %get3A_89 = arith.constant 0 : index
      %get3A_90 = vector.load %arg5[%get3A_87, %get3A_88, %get3A_89] : memref<1x196x768xf32, #tpu.memory_space<vmem>>, vector<1x196x768xf32>
      %get3A_91 = vector.shape_cast %get3A_90 : vector<1x196x768xf32> to vector<196x768xf32>
      %reduce_sum3A_92 = arith.constant dense<0.000000e+00> : vector<196xf32>
      %reduce_sum3A_93 = vector.multi_reduction <add>, %get3A_91, %reduce_sum3A_92 [1] : vector<196x768xf32> to vector<196xf32>
      %broadcast_in_dim3A_94 = vector.shape_cast %reduce_sum3A_93 : vector<196xf32> to vector<196x1xf32>
      %div3A_95 = arith.constant 7.680000e+02 : f32
      %div3A_96 = vector.broadcast %div3A_95 : f32 to vector<196x1xf32>
      %div3A_97 = arith.divf %broadcast_in_dim3A_94, %div3A_96 : vector<196x1xf32>
      %sub3A_98 = vector.broadcast %div3A_97 : vector<196x1xf32> to vector<196x768xf32>
      %sub3A_99 = arith.subf %get3A_91, %sub3A_98 : vector<196x768xf32>
      %mul3A_100 = arith.mulf %sub3A_99, %sub3A_99 : vector<196x768xf32>
      %reduce_sum3A_101 = arith.constant dense<0.000000e+00> : vector<196xf32>
      %reduce_sum3A_102 = vector.multi_reduction <add>, %mul3A_100, %reduce_sum3A_101 [1] : vector<196x768xf32> to vector<196xf32>
      %broadcast_in_dim3A_103 = vector.shape_cast %reduce_sum3A_102 : vector<196xf32> to vector<196x1xf32>
      %div3A_104 = arith.constant 7.680000e+02 : f32
      %div3A_105 = vector.broadcast %div3A_104 : f32 to vector<196x1xf32>
      %div3A_106 = arith.divf %broadcast_in_dim3A_103, %div3A_105 : vector<196x1xf32>
      %add3A_107 = arith.constant 9.99999997E-7 : f32
      %add3A_108 = vector.broadcast %add3A_107 : f32 to vector<196x1xf32>
      %add3A_109 = arith.addf %div3A_106, %add3A_108 : vector<196x1xf32>
      %rsqrt3A_110 = math.rsqrt %add3A_109 : vector<196x1xf32>
      %mul3A_111 = vector.broadcast %rsqrt3A_110 : vector<196x1xf32> to vector<196x768xf32>
      %mul3A_112 = arith.mulf %sub3A_99, %mul3A_111 : vector<196x768xf32>
      %get3A_113 = arith.constant 0 : index
      %get3A_114 = arith.constant 0 : index
      %get3A_115 = arith.constant 0 : index
      %get3A_116 = vector.load %arg8[%get3A_113, %get3A_114, %get3A_115] : memref<1x1x768xf32, #tpu.memory_space<vmem>>, vector<1x1x768xf32>
      %get3A_117 = vector.shape_cast %get3A_116 : vector<1x1x768xf32> to vector<1x768xf32>
      %mul3A_118 = vector.broadcast %get3A_117 : vector<1x768xf32> to vector<196x768xf32>
      %mul3A_119 = arith.mulf %mul3A_112, %mul3A_118 : vector<196x768xf32>
      %get3A_120 = arith.constant 0 : index
      %get3A_121 = arith.constant 0 : index
      %get3A_122 = arith.constant 0 : index
      %get3A_123 = vector.load %arg9[%get3A_120, %get3A_121, %get3A_122] : memref<1x1x768xf32, #tpu.memory_space<vmem>>, vector<1x1x768xf32>
      %get3A_124 = vector.shape_cast %get3A_123 : vector<1x1x768xf32> to vector<1x768xf32>
      %add3A_125 = vector.broadcast %get3A_124 : vector<1x768xf32> to vector<196x768xf32>
      %add3A_126 = arith.addf %mul3A_119, %add3A_125 : vector<196x768xf32>
      %convert_element_type3A_127 = arith.truncf %add3A_126 : vector<196x768xf32> to vector<196x768xbf16>
      %get3A_128 = arith.constant 0 : index
      %get3A_129 = arith.constant 0 : index
      %get3A_130 = arith.constant 0 : index
      %get3A_131 = vector.load %arg10[%get3A_128, %get3A_129, %get3A_130] : memref<1x768x3072xbf16, #tpu.memory_space<vmem>>, vector<1x768x3072xbf16>
      %get3A_132 = vector.shape_cast %get3A_131 : vector<1x768x3072xbf16> to vector<768x3072xbf16>
      %dot_general3A_133 = arith.constant dense<0.000000e+00> : vector<196x3072xf32>
      %dot_general3A_134 = tpu.matmul %convert_element_type3A_127, %get3A_132, %dot_general3A_133 {dimension_numbers = #tpu.dot_dimension_numbers<[1], [0], [0], [1], [0, 0, 1, 1], [], []>, transpose_lhs_hint = false} : vector<196x768xbf16>, vector<768x3072xbf16>, vector<196x3072xf32> -> vector<196x3072xf32>
      %get3A_135 = arith.constant 0 : index
      %get3A_136 = arith.constant 0 : index
      %get3A_137 = arith.constant 0 : index
      %get3A_138 = vector.load %arg11[%get3A_135, %get3A_136, %get3A_137] : memref<1x1x3072xbf16, #tpu.memory_space<vmem>>, vector<1x1x3072xbf16>
      %get3A_139 = vector.shape_cast %get3A_138 : vector<1x1x3072xbf16> to vector<1x3072xbf16>
      %convert_element_type3A_140 = arith.extf %get3A_139 : vector<1x3072xbf16> to vector<1x3072xf32>
      %add3A_141 = vector.broadcast %convert_element_type3A_140 : vector<1x3072xf32> to vector<196x3072xf32>
      %add3A_142 = arith.addf %dot_general3A_134, %add3A_141 : vector<196x3072xf32>
      %convert_element_type3A_143 = arith.truncf %add3A_142 : vector<196x3072xf32> to vector<196x3072xbf16>
      %integer_pow3A_144 = arith.mulf %convert_element_type3A_143, %convert_element_type3A_143 : vector<196x3072xbf16>
      %integer_pow3A_145 = arith.mulf %convert_element_type3A_143, %integer_pow3A_144 : vector<196x3072xbf16>
      %mul3A_146 = arith.constant 4.467770e-02 : bf16
      %mul3A_147 = vector.broadcast %mul3A_146 : bf16 to vector<196x3072xbf16>
      %mul3A_148 = arith.mulf %mul3A_147, %integer_pow3A_145 : vector<196x3072xbf16>
      %add3A_149 = arith.addf %convert_element_type3A_143, %mul3A_148 : vector<196x3072xbf16>
      %mul3A_150 = arith.constant 7.968750e-01 : bf16
      %mul3A_151 = vector.broadcast %mul3A_150 : bf16 to vector<196x3072xbf16>
      %mul3A_152 = arith.mulf %mul3A_151, %add3A_149 : vector<196x3072xbf16>
      %tanh3A_153 = math.tanh %mul3A_152 : vector<196x3072xbf16>
      %add3A_154 = arith.constant 1.000000e+00 : bf16
      %add3A_155 = vector.broadcast %add3A_154 : bf16 to vector<196x3072xbf16>
      %add3A_156 = arith.addf %add3A_155, %tanh3A_153 : vector<196x3072xbf16>
      %mul3A_157 = arith.constant 5.000000e-01 : bf16
      %mul3A_158 = vector.broadcast %mul3A_157 : bf16 to vector<196x3072xbf16>
      %mul3A_159 = arith.mulf %mul3A_158, %add3A_156 : vector<196x3072xbf16>
      %mul3A_160 = arith.mulf %convert_element_type3A_143, %mul3A_159 : vector<196x3072xbf16>
      %get3A_161 = arith.constant 0 : index
      %get3A_162 = arith.constant 0 : index
      %get3A_163 = arith.constant 0 : index
      %get3A_164 = vector.load %arg12[%get3A_161, %get3A_162, %get3A_163] : memref<1x3072x768xbf16, #tpu.memory_space<vmem>>, vector<1x3072x768xbf16>
      %get3A_165 = vector.shape_cast %get3A_164 : vector<1x3072x768xbf16> to vector<3072x768xbf16>
      %dot_general3A_166 = arith.constant dense<0.000000e+00> : vector<196x768xf32>
      %dot_general3A_167 = tpu.matmul %mul3A_160, %get3A_165, %dot_general3A_166 {dimension_numbers = #tpu.dot_dimension_numbers<[1], [0], [0], [1], [0, 0, 1, 1], [], []>, transpose_lhs_hint = false} : vector<196x3072xbf16>, vector<3072x768xbf16>, vector<196x768xf32> -> vector<196x768xf32>
      %get3A_168 = arith.constant 0 : index
      %get3A_169 = arith.constant 0 : index
      %get3A_170 = arith.constant 0 : index
      %get3A_171 = vector.load %arg13[%get3A_168, %get3A_169, %get3A_170] : memref<1x1x768xf32, #tpu.memory_space<vmem>>, vector<1x1x768xf32>
      %get3A_172 = vector.shape_cast %get3A_171 : vector<1x1x768xf32> to vector<1x768xf32>
      %add3A_173 = vector.broadcast %get3A_172 : vector<1x768xf32> to vector<196x768xf32>
      %add3A_174 = arith.addf %dot_general3A_167, %add3A_173 : vector<196x768xf32>
      %convert_element_type3A_175 = arith.truncf %add3A_174 : vector<196x768xf32> to vector<196x768xbf16>
      %swap3A_176 = arith.constant 1 : index
      %swap3A_177 = arith.constant 0 : index
      %swap3A_178 = arith.constant 0 : index
      %swap3A_179 = vector.load %arg14[%swap3A_176, %swap3A_177, %swap3A_178] : memref<4x196x768xbf16, #tpu.memory_space<vmem>>, vector<1x196x768xbf16>
      %swap3A_180 = vector.shape_cast %swap3A_179 : vector<1x196x768xbf16> to vector<196x768xbf16>
      %swap3A_181 = vector.shape_cast %convert_element_type3A_175 : vector<196x768xbf16> to vector<1x196x768xbf16>
      tpu.vector_store %arg14[%swap3A_176, %swap3A_177, %swap3A_178], %swap3A_181 {strides = array<i32>} : memref<4x196x768xbf16, #tpu.memory_space<vmem>>, vector<1x196x768xbf16>,
      %get3A_182 = arith.constant 0 : index
      %get3A_183 = arith.constant 0 : index
      %get3A_184 = arith.constant 0 : index
      %get3A_185 = vector.load %arg6[%get3A_182, %get3A_183, %get3A_184] : memref<1x196x768xf32, #tpu.memory_space<vmem>>, vector<1x196x768xf32>
      %get3A_186 = vector.shape_cast %get3A_185 : vector<1x196x768xf32> to vector<196x768xf32>
      %reduce_sum3A_187 = arith.constant dense<0.000000e+00> : vector<196xf32>
      %reduce_sum3A_188 = vector.multi_reduction <add>, %get3A_186, %reduce_sum3A_187 [1] : vector<196x768xf32> to vector<196xf32>
      %broadcast_in_dim3A_189 = vector.shape_cast %reduce_sum3A_188 : vector<196xf32> to vector<196x1xf32>
      %div3A_190 = arith.constant 7.680000e+02 : f32
      %div3A_191 = vector.broadcast %div3A_190 : f32 to vector<196x1xf32>
      %div3A_192 = arith.divf %broadcast_in_dim3A_189, %div3A_191 : vector<196x1xf32>
      %sub3A_193 = vector.broadcast %div3A_192 : vector<196x1xf32> to vector<196x768xf32>
      %sub3A_194 = arith.subf %get3A_186, %sub3A_193 : vector<196x768xf32>
      %mul3A_195 = arith.mulf %sub3A_194, %sub3A_194 : vector<196x768xf32>
      %reduce_sum3A_196 = arith.constant dense<0.000000e+00> : vector<196xf32>
      %reduce_sum3A_197 = vector.multi_reduction <add>, %mul3A_195, %reduce_sum3A_196 [1] : vector<196x768xf32> to vector<196xf32>
      %broadcast_in_dim3A_198 = vector.shape_cast %reduce_sum3A_197 : vector<196xf32> to vector<196x1xf32>
      %div3A_199 = arith.constant 7.680000e+02 : f32
      %div3A_200 = vector.broadcast %div3A_199 : f32 to vector<196x1xf32>
      %div3A_201 = arith.divf %broadcast_in_dim3A_198, %div3A_200 : vector<196x1xf32>
      %add3A_202 = arith.constant 9.99999997E-7 : f32
      %add3A_203 = vector.broadcast %add3A_202 : f32 to vector<196x1xf32>
      %add3A_204 = arith.addf %div3A_201, %add3A_203 : vector<196x1xf32>
      %rsqrt3A_205 = math.rsqrt %add3A_204 : vector<196x1xf32>
      %mul3A_206 = vector.broadcast %rsqrt3A_205 : vector<196x1xf32> to vector<196x768xf32>
      %mul3A_207 = arith.mulf %sub3A_194, %mul3A_206 : vector<196x768xf32>
      %get3A_208 = arith.constant 0 : index
      %get3A_209 = arith.constant 0 : index
      %get3A_210 = arith.constant 0 : index
      %get3A_211 = vector.load %arg8[%get3A_208, %get3A_209, %get3A_210] : memref<1x1x768xf32, #tpu.memory_space<vmem>>, vector<1x1x768xf32>
      %get3A_212 = vector.shape_cast %get3A_211 : vector<1x1x768xf32> to vector<1x768xf32>
      %mul3A_213 = vector.broadcast %get3A_212 : vector<1x768xf32> to vector<196x768xf32>
      %mul3A_214 = arith.mulf %mul3A_207, %mul3A_213 : vector<196x768xf32>
      %get3A_215 = arith.constant 0 : index
      %get3A_216 = arith.constant 0 : index
      %get3A_217 = arith.constant 0 : index
      %get3A_218 = vector.load %arg9[%get3A_215, %get3A_216, %get3A_217] : memref<1x1x768xf32, #tpu.memory_space<vmem>>, vector<1x1x768xf32>
      %get3A_219 = vector.shape_cast %get3A_218 : vector<1x1x768xf32> to vector<1x768xf32>
      %add3A_220 = vector.broadcast %get3A_219 : vector<1x768xf32> to vector<196x768xf32>
      %add3A_221 = arith.addf %mul3A_214, %add3A_220 : vector<196x768xf32>
      %convert_element_type3A_222 = arith.truncf %add3A_221 : vector<196x768xf32> to vector<196x768xbf16>
      %get3A_223 = arith.constant 0 : index
      %get3A_224 = arith.constant 0 : index
      %get3A_225 = arith.constant 0 : index
      %get3A_226 = vector.load %arg10[%get3A_223, %get3A_224, %get3A_225] : memref<1x768x3072xbf16, #tpu.memory_space<vmem>>, vector<1x768x3072xbf16>
      %get3A_227 = vector.shape_cast %get3A_226 : vector<1x768x3072xbf16> to vector<768x3072xbf16>
      %dot_general3A_228 = arith.constant dense<0.000000e+00> : vector<196x3072xf32>
      %dot_general3A_229 = tpu.matmul %convert_element_type3A_222, %get3A_227, %dot_general3A_228 {dimension_numbers = #tpu.dot_dimension_numbers<[1], [0], [0], [1], [0, 0, 1, 1], [], []>, transpose_lhs_hint = false} : vector<196x768xbf16>, vector<768x3072xbf16>, vector<196x3072xf32> -> vector<196x3072xf32>
      %get3A_230 = arith.constant 0 : index
      %get3A_231 = arith.constant 0 : index
      %get3A_232 = arith.constant 0 : index
      %get3A_233 = vector.load %arg11[%get3A_230, %get3A_231, %get3A_232] : memref<1x1x3072xbf16, #tpu.memory_space<vmem>>, vector<1x1x3072xbf16>
      %get3A_234 = vector.shape_cast %get3A_233 : vector<1x1x3072xbf16> to vector<1x3072xbf16>
      %convert_element_type3A_235 = arith.extf %get3A_234 : vector<1x3072xbf16> to vector<1x3072xf32>
      %add3A_236 = vector.broadcast %convert_element_type3A_235 : vector<1x3072xf32> to vector<196x3072xf32>
      %add3A_237 = arith.addf %dot_general3A_229, %add3A_236 : vector<196x3072xf32>
      %convert_element_type3A_238 = arith.truncf %add3A_237 : vector<196x3072xf32> to vector<196x3072xbf16>
      %integer_pow3A_239 = arith.mulf %convert_element_type3A_238, %convert_element_type3A_238 : vector<196x3072xbf16>
      %integer_pow3A_240 = arith.mulf %convert_element_type3A_238, %integer_pow3A_239 : vector<196x3072xbf16>
      %mul3A_241 = arith.constant 4.467770e-02 : bf16
      %mul3A_242 = vector.broadcast %mul3A_241 : bf16 to vector<196x3072xbf16>
      %mul3A_243 = arith.mulf %mul3A_242, %integer_pow3A_240 : vector<196x3072xbf16>
      %add3A_244 = arith.addf %convert_element_type3A_238, %mul3A_243 : vector<196x3072xbf16>
      %mul3A_245 = arith.constant 7.968750e-01 : bf16
      %mul3A_246 = vector.broadcast %mul3A_245 : bf16 to vector<196x3072xbf16>
      %mul3A_247 = arith.mulf %mul3A_246, %add3A_244 : vector<196x3072xbf16>
      %tanh3A_248 = math.tanh %mul3A_247 : vector<196x3072xbf16>
      %add3A_249 = arith.constant 1.000000e+00 : bf16
      %add3A_250 = vector.broadcast %add3A_249 : bf16 to vector<196x3072xbf16>
      %add3A_251 = arith.addf %add3A_250, %tanh3A_248 : vector<196x3072xbf16>
      %mul3A_252 = arith.constant 5.000000e-01 : bf16
      %mul3A_253 = vector.broadcast %mul3A_252 : bf16 to vector<196x3072xbf16>
      %mul3A_254 = arith.mulf %mul3A_253, %add3A_251 : vector<196x3072xbf16>
      %mul3A_255 = arith.mulf %convert_element_type3A_238, %mul3A_254 : vector<196x3072xbf16>
      %get3A_256 = arith.constant 0 : index
      %get3A_257 = arith.constant 0 : index
      %get3A_258 = arith.constant 0 : index
      %get3A_259 = vector.load %arg12[%get3A_256, %get3A_257, %get3A_258] : memref<1x3072x768xbf16, #tpu.memory_space<vmem>>, vector<1x3072x768xbf16>
      %get3A_260 = vector.shape_cast %get3A_259 : vector<1x3072x768xbf16> to vector<3072x768xbf16>
      %dot_general3A_261 = arith.constant dense<0.000000e+00> : vector<196x768xf32>
      %dot_general3A_262 = tpu.matmul %mul3A_255, %get3A_260, %dot_general3A_261 {dimension_numbers = #tpu.dot_dimension_numbers<[1], [0], [0], [1], [0, 0, 1, 1], [], []>, transpose_lhs_hint = false} : vector<196x3072xbf16>, vector<3072x768xbf16>, vector<196x768xf32> -> vector<196x768xf32>
      %get3A_263 = arith.constant 0 : index
      %get3A_264 = arith.constant 0 : index
      %get3A_265 = arith.constant 0 : index
      %get3A_266 = vector.load %arg13[%get3A_263, %get3A_264, %get3A_265] : memref<1x1x768xf32, #tpu.memory_space<vmem>>, vector<1x1x768xf32>
      %get3A_267 = vector.shape_cast %get3A_266 : vector<1x1x768xf32> to vector<1x768xf32>
      %add3A_268 = vector.broadcast %get3A_267 : vector<1x768xf32> to vector<196x768xf32>
      %add3A_269 = arith.addf %dot_general3A_262, %add3A_268 : vector<196x768xf32>
      %convert_element_type3A_270 = arith.truncf %add3A_269 : vector<196x768xf32> to vector<196x768xbf16>
      %swap3A_271 = arith.constant 2 : index
      %swap3A_272 = arith.constant 0 : index
      %swap3A_273 = arith.constant 0 : index
      %swap3A_274 = vector.load %arg14[%swap3A_271, %swap3A_272, %swap3A_273] : memref<4x196x768xbf16, #tpu.memory_space<vmem>>, vector<1x196x768xbf16>
      %swap3A_275 = vector.shape_cast %swap3A_274 : vector<1x196x768xbf16> to vector<196x768xbf16>
      %swap3A_276 = vector.shape_cast %convert_element_type3A_270 : vector<196x768xbf16> to vector<1x196x768xbf16>
      tpu.vector_store %arg14[%swap3A_271, %swap3A_272, %swap3A_273], %swap3A_276 {strides = array<i32>} : memref<4x196x768xbf16, #tpu.memory_space<vmem>>, vector<1x196x768xbf16>,
      %get3A_277 = arith.constant 0 : index
      %get3A_278 = arith.constant 0 : index
      %get3A_279 = arith.constant 0 : index
      %get3A_280 = vector.load %arg7[%get3A_277, %get3A_278, %get3A_279] : memref<1x196x768xf32, #tpu.memory_space<vmem>>, vector<1x196x768xf32>
      %get3A_281 = vector.shape_cast %get3A_280 : vector<1x196x768xf32> to vector<196x768xf32>
      %reduce_sum3A_282 = arith.constant dense<0.000000e+00> : vector<196xf32>
      %reduce_sum3A_283 = vector.multi_reduction <add>, %get3A_281, %reduce_sum3A_282 [1] : vector<196x768xf32> to vector<196xf32>
      %broadcast_in_dim3A_284 = vector.shape_cast %reduce_sum3A_283 : vector<196xf32> to vector<196x1xf32>
      %div3A_285 = arith.constant 7.680000e+02 : f32
      %div3A_286 = vector.broadcast %div3A_285 : f32 to vector<196x1xf32>
      %div3A_287 = arith.divf %broadcast_in_dim3A_284, %div3A_286 : vector<196x1xf32>
      %sub3A_288 = vector.broadcast %div3A_287 : vector<196x1xf32> to vector<196x768xf32>
      %sub3A_289 = arith.subf %get3A_281, %sub3A_288 : vector<196x768xf32>
      %mul3A_290 = arith.mulf %sub3A_289, %sub3A_289 : vector<196x768xf32>
      %reduce_sum3A_291 = arith.constant dense<0.000000e+00> : vector<196xf32>
      %reduce_sum3A_292 = vector.multi_reduction <add>, %mul3A_290, %reduce_sum3A_291 [1] : vector<196x768xf32> to vector<196xf32>
      %broadcast_in_dim3A_293 = vector.shape_cast %reduce_sum3A_292 : vector<196xf32> to vector<196x1xf32>
      %div3A_294 = arith.constant 7.680000e+02 : f32
      %div3A_295 = vector.broadcast %div3A_294 : f32 to vector<196x1xf32>
      %div3A_296 = arith.divf %broadcast_in_dim3A_293, %div3A_295 : vector<196x1xf32>
      %add3A_297 = arith.constant 9.99999997E-7 : f32
      %add3A_298 = vector.broadcast %add3A_297 : f32 to vector<196x1xf32>
      %add3A_299 = arith.addf %div3A_296, %add3A_298 : vector<196x1xf32>
      %rsqrt3A_300 = math.rsqrt %add3A_299 : vector<196x1xf32>
      %mul3A_301 = vector.broadcast %rsqrt3A_300 : vector<196x1xf32> to vector<196x768xf32>
      %mul3A_302 = arith.mulf %sub3A_289, %mul3A_301 : vector<196x768xf32>
      %get3A_303 = arith.constant 0 : index
      %get3A_304 = arith.constant 0 : index
      %get3A_305 = arith.constant 0 : index
      %get3A_306 = vector.load %arg8[%get3A_303, %get3A_304, %get3A_305] : memref<1x1x768xf32, #tpu.memory_space<vmem>>, vector<1x1x768xf32>
      %get3A_307 = vector.shape_cast %get3A_306 : vector<1x1x768xf32> to vector<1x768xf32>
      %mul3A_308 = vector.broadcast %get3A_307 : vector<1x768xf32> to vector<196x768xf32>
      %mul3A_309 = arith.mulf %mul3A_302, %mul3A_308 : vector<196x768xf32>
      %get3A_310 = arith.constant 0 : index
      %get3A_311 = arith.constant 0 : index
      %get3A_312 = arith.constant 0 : index
      %get3A_313 = vector.load %arg9[%get3A_310, %get3A_311, %get3A_312] : memref<1x1x768xf32, #tpu.memory_space<vmem>>, vector<1x1x768xf32>
      %get3A_314 = vector.shape_cast %get3A_313 : vector<1x1x768xf32> to vector<1x768xf32>
      %add3A_315 = vector.broadcast %get3A_314 : vector<1x768xf32> to vector<196x768xf32>
      %add3A_316 = arith.addf %mul3A_309, %add3A_315 : vector<196x768xf32>
      %convert_element_type3A_317 = arith.truncf %add3A_316 : vector<196x768xf32> to vector<196x768xbf16>
      %get3A_318 = arith.constant 0 : index
      %get3A_319 = arith.constant 0 : index
      %get3A_320 = arith.constant 0 : index
      %get3A_321 = vector.load %arg10[%get3A_318, %get3A_319, %get3A_320] : memref<1x768x3072xbf16, #tpu.memory_space<vmem>>, vector<1x768x3072xbf16>
      %get3A_322 = vector.shape_cast %get3A_321 : vector<1x768x3072xbf16> to vector<768x3072xbf16>
      %dot_general3A_323 = arith.constant dense<0.000000e+00> : vector<196x3072xf32>
      %dot_general3A_324 = tpu.matmul %convert_element_type3A_317, %get3A_322, %dot_general3A_323 {dimension_numbers = #tpu.dot_dimension_numbers<[1], [0], [0], [1], [0, 0, 1, 1], [], []>, transpose_lhs_hint = false} : vector<196x768xbf16>, vector<768x3072xbf16>, vector<196x3072xf32> -> vector<196x3072xf32>
      %get3A_325 = arith.constant 0 : index
      %get3A_326 = arith.constant 0 : index
      %get3A_327 = arith.constant 0 : index
      %get3A_328 = vector.load %arg11[%get3A_325, %get3A_326, %get3A_327] : memref<1x1x3072xbf16, #tpu.memory_space<vmem>>, vector<1x1x3072xbf16>
      %get3A_329 = vector.shape_cast %get3A_328 : vector<1x1x3072xbf16> to vector<1x3072xbf16>
      %convert_element_type3A_330 = arith.extf %get3A_329 : vector<1x3072xbf16> to vector<1x3072xf32>
      %add3A_331 = vector.broadcast %convert_element_type3A_330 : vector<1x3072xf32> to vector<196x3072xf32>
      %add3A_332 = arith.addf %dot_general3A_324, %add3A_331 : vector<196x3072xf32>
      %convert_element_type3A_333 = arith.truncf %add3A_332 : vector<196x3072xf32> to vector<196x3072xbf16>
      %integer_pow3A_334 = arith.mulf %convert_element_type3A_333, %convert_element_type3A_333 : vector<196x3072xbf16>
      %integer_pow3A_335 = arith.mulf %convert_element_type3A_333, %integer_pow3A_334 : vector<196x3072xbf16>
      %mul3A_336 = arith.constant 4.467770e-02 : bf16
      %mul3A_337 = vector.broadcast %mul3A_336 : bf16 to vector<196x3072xbf16>
      %mul3A_338 = arith.mulf %mul3A_337, %integer_pow3A_335 : vector<196x3072xbf16>
      %add3A_339 = arith.addf %convert_element_type3A_333, %mul3A_338 : vector<196x3072xbf16>
      %mul3A_340 = arith.constant 7.968750e-01 : bf16
      %mul3A_341 = vector.broadcast %mul3A_340 : bf16 to vector<196x3072xbf16>
      %mul3A_342 = arith.mulf %mul3A_341, %add3A_339 : vector<196x3072xbf16>
      %tanh3A_343 = math.tanh %mul3A_342 : vector<196x3072xbf16>
      %add3A_344 = arith.constant 1.000000e+00 : bf16
      %add3A_345 = vector.broadcast %add3A_344 : bf16 to vector<196x3072xbf16>
      %add3A_346 = arith.addf %add3A_345, %tanh3A_343 : vector<196x3072xbf16>
      %mul3A_347 = arith.constant 5.000000e-01 : bf16
      %mul3A_348 = vector.broadcast %mul3A_347 : bf16 to vector<196x3072xbf16>
      %mul3A_349 = arith.mulf %mul3A_348, %add3A_346 : vector<196x3072xbf16>
      %mul3A_350 = arith.mulf %convert_element_type3A_333, %mul3A_349 : vector<196x3072xbf16>
      %get3A_351 = arith.constant 0 : index
      %get3A_352 = arith.constant 0 : index
      %get3A_353 = arith.constant 0 : index
      %get3A_354 = vector.load %arg12[%get3A_351, %get3A_352, %get3A_353] : memref<1x3072x768xbf16, #tpu.memory_space<vmem>>, vector<1x3072x768xbf16>
      %get3A_355 = vector.shape_cast %get3A_354 : vector<1x3072x768xbf16> to vector<3072x768xbf16>
      %dot_general3A_356 = arith.constant dense<0.000000e+00> : vector<196x768xf32>
      %dot_general3A_357 = tpu.matmul %mul3A_350, %get3A_355, %dot_general3A_356 {dimension_numbers = #tpu.dot_dimension_numbers<[1], [0], [0], [1], [0, 0, 1, 1], [], []>, transpose_lhs_hint = false} : vector<196x3072xbf16>, vector<3072x768xbf16>, vector<196x768xf32> -> vector<196x768xf32>
      %get3A_358 = arith.constant 0 : index
      %get3A_359 = arith.constant 0 : index
      %get3A_360 = arith.constant 0 : index
      %get3A_361 = vector.load %arg13[%get3A_358, %get3A_359, %get3A_360] : memref<1x1x768xf32, #tpu.memory_space<vmem>>, vector<1x1x768xf32>
      %get3A_362 = vector.shape_cast %get3A_361 : vector<1x1x768xf32> to vector<1x768xf32>
      %add3A_363 = vector.broadcast %get3A_362 : vector<1x768xf32> to vector<196x768xf32>
      %add3A_364 = arith.addf %dot_general3A_357, %add3A_363 : vector<196x768xf32>
      %convert_element_type3A_365 = arith.truncf %add3A_364 : vector<196x768xf32> to vector<196x768xbf16>
      %swap3A_366 = arith.constant 3 : index
      %swap3A_367 = arith.constant 0 : index
      %swap3A_368 = arith.constant 0 : index
      %swap3A_369 = vector.load %arg14[%swap3A_366, %swap3A_367, %swap3A_368] : memref<4x196x768xbf16, #tpu.memory_space<vmem>>, vector<1x196x768xbf16>
      %swap3A_370 = vector.shape_cast %swap3A_369 : vector<1x196x768xbf16> to vector<196x768xbf16>
      %swap3A_371 = vector.shape_cast %convert_element_type3A_365 : vector<196x768xbf16> to vector<1x196x768xbf16>
      tpu.vector_store %arg14[%swap3A_366, %swap3A_367, %swap3A_368], %swap3A_371 {strides = array<i32>} : memref<4x196x768xbf16, #tpu.memory_space<vmem>>, vector<1x196x768xbf16>,
    } else {
    }
    return
  }
  func.func @transform_0(%arg0: i32, %arg1: memref<152xi32, #tpu.memory_space<smem>>, %arg2: memref<38xi32, #tpu.memory_space<smem>>, %arg3: memref<38xi32, #tpu.memory_space<smem>>) -> (i32, i32, i32) {
    %mul3A = arith.constant 4 : i32
    %mul3A_0 = arith.muli %mul3A, %arg0 : i32
    %add3A = arith.constant 0 : i32
    %add3A_1 = arith.addi %mul3A_0, %add3A : i32
    %get3A = arith.index_cast %add3A_1 : i32 to index
    %get3A_2 = memref.load %arg1[%get3A] : memref<152xi32, #tpu.memory_space<smem>>
    %c0_i32 = arith.constant 0 : i32
    %c0_i32_3 = arith.constant 0 : i32
    %c0_i32_4 = arith.constant 0 : i32
    return %get3A_2, %c0_i32, %c0_i32_3 : i32, i32, i32
  }
  func.func @transform_1(%arg0: i32, %arg1: memref<152xi32, #tpu.memory_space<smem>>, %arg2: memref<38xi32, #tpu.memory_space<smem>>, %arg3: memref<38xi32, #tpu.memory_space<smem>>) -> (i32, i32, i32) {
    %mul3A = arith.constant 4 : i32
    %mul3A_0 = arith.muli %mul3A, %arg0 : i32
    %add3A = arith.constant 1 : i32
    %add3A_1 = arith.addi %mul3A_0, %add3A : i32
    %get3A = arith.index_cast %add3A_1 : i32 to index
    %get3A_2 = memref.load %arg1[%get3A] : memref<152xi32, #tpu.memory_space<smem>>
    %c0_i32 = arith.constant 0 : i32
    %c0_i32_3 = arith.constant 0 : i32
    %c0_i32_4 = arith.constant 0 : i32
    return %get3A_2, %c0_i32, %c0_i32_3 : i32, i32, i32
  }
  func.func @transform_2(%arg0: i32, %arg1: memref<152xi32, #tpu.memory_space<smem>>, %arg2: memref<38xi32, #tpu.memory_space<smem>>, %arg3: memref<38xi32, #tpu.memory_space<smem>>) -> (i32, i32, i32) {
    %mul3A = arith.constant 4 : i32
    %mul3A_0 = arith.muli %mul3A, %arg0 : i32
    %add3A = arith.constant 2 : i32
    %add3A_1 = arith.addi %mul3A_0, %add3A : i32
    %get3A = arith.index_cast %add3A_1 : i32 to index
    %get3A_2 = memref.load %arg1[%get3A] : memref<152xi32, #tpu.memory_space<smem>>
    %c0_i32 = arith.constant 0 : i32
    %c0_i32_3 = arith.constant 0 : i32
    %c0_i32_4 = arith.constant 0 : i32
    return %get3A_2, %c0_i32, %c0_i32_3 : i32, i32, i32
  }
  func.func @transform_3(%arg0: i32, %arg1: memref<152xi32, #tpu.memory_space<smem>>, %arg2: memref<38xi32, #tpu.memory_space<smem>>, %arg3: memref<38xi32, #tpu.memory_space<smem>>) -> (i32, i32, i32) {
    %mul3A = arith.constant 4 : i32
    %mul3A_0 = arith.muli %mul3A, %arg0 : i32
    %add3A = arith.constant 3 : i32
    %add3A_1 = arith.addi %mul3A_0, %add3A : i32
    %get3A = arith.index_cast %add3A_1 : i32 to index
    %get3A_2 = memref.load %arg1[%get3A] : memref<152xi32, #tpu.memory_space<smem>>
    %c0_i32 = arith.constant 0 : i32
    %c0_i32_3 = arith.constant 0 : i32
    %c0_i32_4 = arith.constant 0 : i32
    return %get3A_2, %c0_i32, %c0_i32_3 : i32, i32, i32
  }
  func.func @transform_4(%arg0: i32, %arg1: memref<152xi32, #tpu.memory_space<smem>>, %arg2: memref<38xi32, #tpu.memory_space<smem>>, %arg3: memref<38xi32, #tpu.memory_space<smem>>) -> (i32, i32, i32) {
    %get3A = arith.index_cast %arg0 : i32 to index
    %get3A_0 = memref.load %arg2[%get3A] : memref<38xi32, #tpu.memory_space<smem>>
    %c0_i32 = arith.constant 0 : i32
    %c0_i32_1 = arith.constant 0 : i32
    %c0_i32_2 = arith.constant 0 : i32
    return %get3A_0, %c0_i32, %c0_i32_1 : i32, i32, i32
  }
  func.func @transform_5(%arg0: i32, %arg1: memref<152xi32, #tpu.memory_space<smem>>, %arg2: memref<38xi32, #tpu.memory_space<smem>>, %arg3: memref<38xi32, #tpu.memory_space<smem>>) -> (i32, i32, i32) {
    %get3A = arith.index_cast %arg0 : i32 to index
    %get3A_0 = memref.load %arg2[%get3A] : memref<38xi32, #tpu.memory_space<smem>>
    %c0_i32 = arith.constant 0 : i32
    %c0_i32_1 = arith.constant 0 : i32
    %c0_i32_2 = arith.constant 0 : i32
    return %get3A_0, %c0_i32, %c0_i32_1 : i32, i32, i32
  }
  func.func @transform_6(%arg0: i32, %arg1: memref<152xi32, #tpu.memory_space<smem>>, %arg2: memref<38xi32, #tpu.memory_space<smem>>, %arg3: memref<38xi32, #tpu.memory_space<smem>>) -> (i32, i32, i32) {
    %get3A = arith.index_cast %arg0 : i32 to index
    %get3A_0 = memref.load %arg2[%get3A] : memref<38xi32, #tpu.memory_space<smem>>
    %c0_i32 = arith.constant 0 : i32
    %c0_i32_1 = arith.constant 0 : i32
    %c0_i32_2 = arith.constant 0 : i32
    return %get3A_0, %c0_i32, %c0_i32_1 : i32, i32, i32
  }
  func.func @transform_7(%arg0: i32, %arg1: memref<152xi32, #tpu.memory_space<smem>>, %arg2: memref<38xi32, #tpu.memory_space<smem>>, %arg3: memref<38xi32, #tpu.memory_space<smem>>) -> (i32, i32, i32) {
    %get3A = arith.index_cast %arg0 : i32 to index
    %get3A_0 = memref.load %arg2[%get3A] : memref<38xi32, #tpu.memory_space<smem>>
    %c0_i32 = arith.constant 0 : i32
    %c0_i32_1 = arith.constant 0 : i32
    %c0_i32_2 = arith.constant 0 : i32
    return %get3A_0, %c0_i32, %c0_i32_1 : i32, i32, i32
  }
  func.func @transform_8(%arg0: i32, %arg1: memref<152xi32, #tpu.memory_space<smem>>, %arg2: memref<38xi32, #tpu.memory_space<smem>>, %arg3: memref<38xi32, #tpu.memory_space<smem>>) -> (i32, i32, i32) {
    %get3A = arith.index_cast %arg0 : i32 to index
    %get3A_0 = memref.load %arg2[%get3A] : memref<38xi32, #tpu.memory_space<smem>>
    %c0_i32 = arith.constant 0 : i32
    %c0_i32_1 = arith.constant 0 : i32
    %c0_i32_2 = arith.constant 0 : i32
    return %get3A_0, %c0_i32, %c0_i32_1 : i32, i32, i32
  }
  func.func @transform_9(%arg0: i32, %arg1: memref<152xi32, #tpu.memory_space<smem>>, %arg2: memref<38xi32, #tpu.memory_space<smem>>, %arg3: memref<38xi32, #tpu.memory_space<smem>>) -> (i32, i32, i32) {
    %get3A = arith.index_cast %arg0 : i32 to index
    %get3A_0 = memref.load %arg2[%get3A] : memref<38xi32, #tpu.memory_space<smem>>
    %c0_i32 = arith.constant 0 : i32
    %c0_i32_1 = arith.constant 0 : i32
    %c0_i32_2 = arith.constant 0 : i32
    return %get3A_0, %c0_i32, %c0_i32_1 : i32, i32, i32
  }
  func.func @transform_10(%arg0: i32, %arg1: memref<152xi32, #tpu.memory_space<smem>>, %arg2: memref<38xi32, #tpu.memory_space<smem>>, %arg3: memref<38xi32, #tpu.memory_space<smem>>) -> (i32, i32, i32) {
    %c0_i32 = arith.constant 0 : i32
    %c0_i32_0 = arith.constant 0 : i32
    %c0_i32_1 = arith.constant 0 : i32
    return %arg0, %c0_i32, %c0_i32_0 : i32, i32, i32
  }
}

module attributes {stable_mosaic.version = 14 : i64} {
  func.func @_combine_body(%arg0: i32, %arg1: memref<64xi32, #tpu.memory_space<smem>>, %arg2: memref<64xi32, #tpu.memory_space<smem>>, %arg3: memref<1x196x768xf32, #tpu.memory_space<vmem>>, %arg4: memref<1x196x768xbf16, #tpu.memory_space<vmem>>, %arg5: memref<1x196x768xbf16, #tpu.memory_space<vmem>>, %arg6: memref<1x1x1xf32, #tpu.memory_space<vmem>>, %arg7: memref<1x1x1xf32, #tpu.memory_space<vmem>>, %arg8: memref<768x8xf32, #tpu.memory_space<vmem>>, %arg9: memref<1x196x768xf32, #tpu.memory_space<vmem>>, %arg10: memref<1x1x8xf32, #tpu.memory_space<vmem>>) attributes {dimension_semantics = [#tpu.dimension_semantics<arbitrary>], iteration_bounds = array<i64: 64>, scalar_prefetch = 2 : i64, scratch_operands = 0 : i64, tpu.core_type = #tpu.core_type<tc>, window_params = [{transform_indices = @transform_0, window_bounds = array<i64: 1, 196, 768>}, {transform_indices = @transform_1, window_bounds = array<i64: 1, 196, 768>}, {transform_indices = @transform_2, window_bounds = array<i64: 1, 196, 768>}, {transform_indices = @transform_3, window_bounds = array<i64: 1, 1, 1>}, {transform_indices = @transform_4, window_bounds = array<i64: 1, 1, 1>}, {pipeline_mode = #tpu.pipeline_mode<synchronous>, transform_indices = @transform_5, window_bounds = array<i64: 768, 8>}, {transform_indices = @transform_6, window_bounds = array<i64: 1, 196, 768>}, {transform_indices = @transform_7, window_bounds = array<i64: 1, 1, 8>}]} {
    %get3A = arith.constant 0 : index
    %get3A_0 = arith.constant 0 : index
    %get3A_1 = arith.constant 0 : index
    %get3A_2 = vector.load %arg6[%get3A, %get3A_0, %get3A_1] : memref<1x1x1xf32, #tpu.memory_space<vmem>>, vector<1x1x1xf32>
    %get3A_3 = vector.extract %get3A_2[0, 0, 0] : f32 from vector<1x1x1xf32>
    %get3A_4 = arith.constant 0 : index
    %get3A_5 = arith.constant 0 : index
    %get3A_6 = arith.constant 0 : index
    %get3A_7 = vector.load %arg7[%get3A_4, %get3A_5, %get3A_6] : memref<1x1x1xf32, #tpu.memory_space<vmem>>, vector<1x1x1xf32>
    %get3A_8 = vector.extract %get3A_7[0, 0, 0] : f32 from vector<1x1x1xf32>
    %add3A = arith.addf %get3A_3, %get3A_8 : f32
    %get3A_9 = arith.constant 0 : index
    %get3A_10 = arith.constant 0 : index
    %get3A_11 = arith.constant 0 : index
    %get3A_12 = vector.load %arg3[%get3A_9, %get3A_10, %get3A_11] : memref<1x196x768xf32, #tpu.memory_space<vmem>>, vector<1x196x768xf32>
    %get3A_13 = vector.shape_cast %get3A_12 : vector<1x196x768xf32> to vector<196x768xf32>
    %mul3A = vector.broadcast %add3A : f32 to vector<196x768xf32>
    %mul3A_14 = arith.mulf %mul3A, %get3A_13 : vector<196x768xf32>
    %get3A_15 = arith.constant 0 : index
    %get3A_16 = arith.constant 0 : index
    %get3A_17 = arith.constant 0 : index
    %get3A_18 = vector.load %arg4[%get3A_15, %get3A_16, %get3A_17] : memref<1x196x768xbf16, #tpu.memory_space<vmem>>, vector<1x196x768xbf16>
    %get3A_19 = vector.shape_cast %get3A_18 : vector<1x196x768xbf16> to vector<196x768xbf16>
    %convert_element_type3A = arith.extf %get3A_19 : vector<196x768xbf16> to vector<196x768xf32>
    %mul3A_20 = vector.broadcast %get3A_3 : f32 to vector<196x768xf32>
    %mul3A_21 = arith.mulf %mul3A_20, %convert_element_type3A : vector<196x768xf32>
    %add3A_22 = arith.addf %mul3A_14, %mul3A_21 : vector<196x768xf32>
    %get3A_23 = arith.constant 0 : index
    %get3A_24 = arith.constant 0 : index
    %get3A_25 = arith.constant 0 : index
    %get3A_26 = vector.load %arg5[%get3A_23, %get3A_24, %get3A_25] : memref<1x196x768xbf16, #tpu.memory_space<vmem>>, vector<1x196x768xbf16>
    %get3A_27 = vector.shape_cast %get3A_26 : vector<1x196x768xbf16> to vector<196x768xbf16>
    %convert_element_type3A_28 = arith.extf %get3A_27 : vector<196x768xbf16> to vector<196x768xf32>
    %mul3A_29 = vector.broadcast %get3A_8 : f32 to vector<196x768xf32>
    %mul3A_30 = arith.mulf %mul3A_29, %convert_element_type3A_28 : vector<196x768xf32>
    %add3A_31 = arith.addf %add3A_22, %mul3A_30 : vector<196x768xf32>
    %swap3A = arith.constant 0 : index
    %swap3A_32 = arith.constant 0 : index
    %swap3A_33 = arith.constant 0 : index
    %swap3A_34 = vector.load %arg9[%swap3A, %swap3A_32, %swap3A_33] : memref<1x196x768xf32, #tpu.memory_space<vmem>>, vector<1x196x768xf32>
    %swap3A_35 = vector.shape_cast %swap3A_34 : vector<1x196x768xf32> to vector<196x768xf32>
    %swap3A_36 = vector.shape_cast %add3A_31 : vector<196x768xf32> to vector<1x196x768xf32>
    tpu.vector_store %arg9[%swap3A, %swap3A_32, %swap3A_33], %swap3A_36 {strides = array<i32>} : memref<1x196x768xf32, #tpu.memory_space<vmem>>, vector<1x196x768xf32>,
    %reduce_sum3A = arith.constant dense<0.000000e+00> : vector<768xf32>
    %reduce_sum3A_37 = vector.multi_reduction <add>, %add3A_31, %reduce_sum3A [0] : vector<196x768xf32> to vector<768xf32>
    %broadcast_in_dim3A = vector.shape_cast %reduce_sum3A_37 : vector<768xf32> to vector<1x768xf32>
    %div3A = arith.constant 1.960000e+02 : f32
    %div3A_38 = vector.broadcast %div3A : f32 to vector<1x768xf32>
    %div3A_39 = arith.divf %broadcast_in_dim3A, %div3A_38 : vector<1x768xf32>
    %get3A_40 = arith.constant 0 : index
    %get3A_41 = arith.constant 0 : index
    %get3A_42 = vector.load %arg8[%get3A_40, %get3A_41] : memref<768x8xf32, #tpu.memory_space<vmem>>, vector<768x8xf32>
    %dot_general3A = arith.constant dense<0.000000e+00> : vector<1x8xf32>
    %dot_general3A_43 = tpu.matmul %div3A_39, %get3A_42, %dot_general3A {dimension_numbers = #tpu.dot_dimension_numbers<[1], [0], [0], [1], [0, 0, 1, 1], [], []>, transpose_lhs_hint = false} : vector<1x768xf32>, vector<768x8xf32>, vector<1x8xf32> -> vector<1x8xf32>
    %swap3A_44 = arith.constant 0 : index
    %swap3A_45 = arith.constant 0 : index
    %swap3A_46 = arith.constant 0 : index
    %swap3A_47 = vector.load %arg10[%swap3A_44, %swap3A_45, %swap3A_46] : memref<1x1x8xf32, #tpu.memory_space<vmem>>, vector<1x1x8xf32>
    %swap3A_48 = vector.shape_cast %swap3A_47 : vector<1x1x8xf32> to vector<1x8xf32>
    %swap3A_49 = vector.shape_cast %dot_general3A_43 : vector<1x8xf32> to vector<1x1x8xf32>
    tpu.vector_store %arg10[%swap3A_44, %swap3A_45, %swap3A_46], %swap3A_49 {strides = array<i32>} : memref<1x1x8xf32, #tpu.memory_space<vmem>>, vector<1x1x8xf32>,
    return
  }
  func.func @transform_0(%arg0: i32, %arg1: memref<64xi32, #tpu.memory_space<smem>>, %arg2: memref<64xi32, #tpu.memory_space<smem>>) -> (i32, i32, i32) {
    %c0_i32 = arith.constant 0 : i32
    %c0_i32_0 = arith.constant 0 : i32
    %c0_i32_1 = arith.constant 0 : i32
    return %arg0, %c0_i32, %c0_i32_0 : i32, i32, i32
  }
  func.func @transform_1(%arg0: i32, %arg1: memref<64xi32, #tpu.memory_space<smem>>, %arg2: memref<64xi32, #tpu.memory_space<smem>>) -> (i32, i32, i32) {
    %get3A = arith.index_cast %arg0 : i32 to index
    %get3A_0 = memref.load %arg1[%get3A] : memref<64xi32, #tpu.memory_space<smem>>
    %c0_i32 = arith.constant 0 : i32
    %c0_i32_1 = arith.constant 0 : i32
    %c0_i32_2 = arith.constant 0 : i32
    return %get3A_0, %c0_i32, %c0_i32_1 : i32, i32, i32
  }
  func.func @transform_2(%arg0: i32, %arg1: memref<64xi32, #tpu.memory_space<smem>>, %arg2: memref<64xi32, #tpu.memory_space<smem>>) -> (i32, i32, i32) {
    %get3A = arith.index_cast %arg0 : i32 to index
    %get3A_0 = memref.load %arg2[%get3A] : memref<64xi32, #tpu.memory_space<smem>>
    %c0_i32 = arith.constant 0 : i32
    %c0_i32_1 = arith.constant 0 : i32
    %c0_i32_2 = arith.constant 0 : i32
    return %get3A_0, %c0_i32, %c0_i32_1 : i32, i32, i32
  }
  func.func @transform_3(%arg0: i32, %arg1: memref<64xi32, #tpu.memory_space<smem>>, %arg2: memref<64xi32, #tpu.memory_space<smem>>) -> (i32, i32, i32) {
    %c0_i32 = arith.constant 0 : i32
    %c0_i32_0 = arith.constant 0 : i32
    %c0_i32_1 = arith.constant 0 : i32
    return %arg0, %c0_i32, %c0_i32_0 : i32, i32, i32
  }
  func.func @transform_4(%arg0: i32, %arg1: memref<64xi32, #tpu.memory_space<smem>>, %arg2: memref<64xi32, #tpu.memory_space<smem>>) -> (i32, i32, i32) {
    %c0_i32 = arith.constant 0 : i32
    %c0_i32_0 = arith.constant 0 : i32
    %c0_i32_1 = arith.constant 0 : i32
    return %arg0, %c0_i32, %c0_i32_0 : i32, i32, i32
  }
  func.func @transform_5(%arg0: i32, %arg1: memref<64xi32, #tpu.memory_space<smem>>, %arg2: memref<64xi32, #tpu.memory_space<smem>>) -> (i32, i32) {
    %c0_i32 = arith.constant 0 : i32
    %c0_i32_0 = arith.constant 0 : i32
    %c0_i32_1 = arith.constant 0 : i32
    return %c0_i32, %c0_i32_0 : i32, i32
  }
  func.func @transform_6(%arg0: i32, %arg1: memref<64xi32, #tpu.memory_space<smem>>, %arg2: memref<64xi32, #tpu.memory_space<smem>>) -> (i32, i32, i32) {
    %c0_i32 = arith.constant 0 : i32
    %c0_i32_0 = arith.constant 0 : i32
    %c0_i32_1 = arith.constant 0 : i32
    return %arg0, %c0_i32, %c0_i32_0 : i32, i32, i32
  }
  func.func @transform_7(%arg0: i32, %arg1: memref<64xi32, #tpu.memory_space<smem>>, %arg2: memref<64xi32, #tpu.memory_space<smem>>) -> (i32, i32, i32) {
    %c0_i32 = arith.constant 0 : i32
    %c0_i32_0 = arith.constant 0 : i32
    %c0_i32_1 = arith.constant 0 : i32
    return %arg0, %c0_i32, %c0_i32_0 : i32, i32, i32
  }
}

module attributes {stable_mosaic.version = 14 : i64} {
  func.func @_final_body(%arg0: i32, %arg1: memref<64xi32, #tpu.memory_space<smem>>, %arg2: memref<64xi32, #tpu.memory_space<smem>>, %arg3: memref<1x196x768xf32, #tpu.memory_space<vmem>>, %arg4: memref<1x196x768xbf16, #tpu.memory_space<vmem>>, %arg5: memref<1x196x768xbf16, #tpu.memory_space<vmem>>, %arg6: memref<1x1x1xf32, #tpu.memory_space<vmem>>, %arg7: memref<1x1x1xf32, #tpu.memory_space<vmem>>, %arg8: memref<768x1000xf32, #tpu.memory_space<vmem>>, %arg9: memref<1x1x1000xf32, #tpu.memory_space<vmem>>) attributes {dimension_semantics = [#tpu.dimension_semantics<arbitrary>], iteration_bounds = array<i64: 64>, scalar_prefetch = 2 : i64, scratch_operands = 0 : i64, tpu.core_type = #tpu.core_type<tc>, window_params = [{transform_indices = @transform_0, window_bounds = array<i64: 1, 196, 768>}, {transform_indices = @transform_1, window_bounds = array<i64: 1, 196, 768>}, {transform_indices = @transform_2, window_bounds = array<i64: 1, 196, 768>}, {transform_indices = @transform_3, window_bounds = array<i64: 1, 1, 1>}, {transform_indices = @transform_4, window_bounds = array<i64: 1, 1, 1>}, {pipeline_mode = #tpu.pipeline_mode<synchronous>, transform_indices = @transform_5, window_bounds = array<i64: 768, 1000>}, {transform_indices = @transform_6, window_bounds = array<i64: 1, 1, 1000>}]} {
    %get3A = arith.constant 0 : index
    %get3A_0 = arith.constant 0 : index
    %get3A_1 = arith.constant 0 : index
    %get3A_2 = vector.load %arg6[%get3A, %get3A_0, %get3A_1] : memref<1x1x1xf32, #tpu.memory_space<vmem>>, vector<1x1x1xf32>
    %get3A_3 = vector.extract %get3A_2[0, 0, 0] : f32 from vector<1x1x1xf32>
    %get3A_4 = arith.constant 0 : index
    %get3A_5 = arith.constant 0 : index
    %get3A_6 = arith.constant 0 : index
    %get3A_7 = vector.load %arg7[%get3A_4, %get3A_5, %get3A_6] : memref<1x1x1xf32, #tpu.memory_space<vmem>>, vector<1x1x1xf32>
    %get3A_8 = vector.extract %get3A_7[0, 0, 0] : f32 from vector<1x1x1xf32>
    %add3A = arith.addf %get3A_3, %get3A_8 : f32
    %get3A_9 = arith.constant 0 : index
    %get3A_10 = arith.constant 0 : index
    %get3A_11 = arith.constant 0 : index
    %get3A_12 = vector.load %arg3[%get3A_9, %get3A_10, %get3A_11] : memref<1x196x768xf32, #tpu.memory_space<vmem>>, vector<1x196x768xf32>
    %get3A_13 = vector.shape_cast %get3A_12 : vector<1x196x768xf32> to vector<196x768xf32>
    %mul3A = vector.broadcast %add3A : f32 to vector<196x768xf32>
    %mul3A_14 = arith.mulf %mul3A, %get3A_13 : vector<196x768xf32>
    %get3A_15 = arith.constant 0 : index
    %get3A_16 = arith.constant 0 : index
    %get3A_17 = arith.constant 0 : index
    %get3A_18 = vector.load %arg4[%get3A_15, %get3A_16, %get3A_17] : memref<1x196x768xbf16, #tpu.memory_space<vmem>>, vector<1x196x768xbf16>
    %get3A_19 = vector.shape_cast %get3A_18 : vector<1x196x768xbf16> to vector<196x768xbf16>
    %convert_element_type3A = arith.extf %get3A_19 : vector<196x768xbf16> to vector<196x768xf32>
    %mul3A_20 = vector.broadcast %get3A_3 : f32 to vector<196x768xf32>
    %mul3A_21 = arith.mulf %mul3A_20, %convert_element_type3A : vector<196x768xf32>
    %add3A_22 = arith.addf %mul3A_14, %mul3A_21 : vector<196x768xf32>
    %get3A_23 = arith.constant 0 : index
    %get3A_24 = arith.constant 0 : index
    %get3A_25 = arith.constant 0 : index
    %get3A_26 = vector.load %arg5[%get3A_23, %get3A_24, %get3A_25] : memref<1x196x768xbf16, #tpu.memory_space<vmem>>, vector<1x196x768xbf16>
    %get3A_27 = vector.shape_cast %get3A_26 : vector<1x196x768xbf16> to vector<196x768xbf16>
    %convert_element_type3A_28 = arith.extf %get3A_27 : vector<196x768xbf16> to vector<196x768xf32>
    %mul3A_29 = vector.broadcast %get3A_8 : f32 to vector<196x768xf32>
    %mul3A_30 = arith.mulf %mul3A_29, %convert_element_type3A_28 : vector<196x768xf32>
    %add3A_31 = arith.addf %add3A_22, %mul3A_30 : vector<196x768xf32>
    %reduce_sum3A = arith.constant dense<0.000000e+00> : vector<768xf32>
    %reduce_sum3A_32 = vector.multi_reduction <add>, %add3A_31, %reduce_sum3A [0] : vector<196x768xf32> to vector<768xf32>
    %broadcast_in_dim3A = vector.shape_cast %reduce_sum3A_32 : vector<768xf32> to vector<1x768xf32>
    %div3A = arith.constant 1.960000e+02 : f32
    %div3A_33 = vector.broadcast %div3A : f32 to vector<1x768xf32>
    %div3A_34 = arith.divf %broadcast_in_dim3A, %div3A_33 : vector<1x768xf32>
    %get3A_35 = arith.constant 0 : index
    %get3A_36 = arith.constant 0 : index
    %get3A_37 = vector.load %arg8[%get3A_35, %get3A_36] : memref<768x1000xf32, #tpu.memory_space<vmem>>, vector<768x1000xf32>
    %dot_general3A = arith.constant dense<0.000000e+00> : vector<1x1000xf32>
    %dot_general3A_38 = tpu.matmul %div3A_34, %get3A_37, %dot_general3A {dimension_numbers = #tpu.dot_dimension_numbers<[1], [0], [0], [1], [0, 0, 1, 1], [], []>, transpose_lhs_hint = false} : vector<1x768xf32>, vector<768x1000xf32>, vector<1x1000xf32> -> vector<1x1000xf32>
    %swap3A = arith.constant 0 : index
    %swap3A_39 = arith.constant 0 : index
    %swap3A_40 = arith.constant 0 : index
    %swap3A_41 = vector.load %arg9[%swap3A, %swap3A_39, %swap3A_40] : memref<1x1x1000xf32, #tpu.memory_space<vmem>>, vector<1x1x1000xf32>
    %swap3A_42 = vector.shape_cast %swap3A_41 : vector<1x1x1000xf32> to vector<1x1000xf32>
    %swap3A_43 = vector.shape_cast %dot_general3A_38 : vector<1x1000xf32> to vector<1x1x1000xf32>
    tpu.vector_store %arg9[%swap3A, %swap3A_39, %swap3A_40], %swap3A_43 {strides = array<i32>} : memref<1x1x1000xf32, #tpu.memory_space<vmem>>, vector<1x1x1000xf32>,
    return
  }
  func.func @transform_0(%arg0: i32, %arg1: memref<64xi32, #tpu.memory_space<smem>>, %arg2: memref<64xi32, #tpu.memory_space<smem>>) -> (i32, i32, i32) {
    %c0_i32 = arith.constant 0 : i32
    %c0_i32_0 = arith.constant 0 : i32
    %c0_i32_1 = arith.constant 0 : i32
    return %arg0, %c0_i32, %c0_i32_0 : i32, i32, i32
  }
  func.func @transform_1(%arg0: i32, %arg1: memref<64xi32, #tpu.memory_space<smem>>, %arg2: memref<64xi32, #tpu.memory_space<smem>>) -> (i32, i32, i32) {
    %get3A = arith.index_cast %arg0 : i32 to index
    %get3A_0 = memref.load %arg1[%get3A] : memref<64xi32, #tpu.memory_space<smem>>
    %c0_i32 = arith.constant 0 : i32
    %c0_i32_1 = arith.constant 0 : i32
    %c0_i32_2 = arith.constant 0 : i32
    return %get3A_0, %c0_i32, %c0_i32_1 : i32, i32, i32
  }
  func.func @transform_2(%arg0: i32, %arg1: memref<64xi32, #tpu.memory_space<smem>>, %arg2: memref<64xi32, #tpu.memory_space<smem>>) -> (i32, i32, i32) {
    %get3A = arith.index_cast %arg0 : i32 to index
    %get3A_0 = memref.load %arg2[%get3A] : memref<64xi32, #tpu.memory_space<smem>>
    %c0_i32 = arith.constant 0 : i32
    %c0_i32_1 = arith.constant 0 : i32
    %c0_i32_2 = arith.constant 0 : i32
    return %get3A_0, %c0_i32, %c0_i32_1 : i32, i32, i32
  }
  func.func @transform_3(%arg0: i32, %arg1: memref<64xi32, #tpu.memory_space<smem>>, %arg2: memref<64xi32, #tpu.memory_space<smem>>) -> (i32, i32, i32) {
    %c0_i32 = arith.constant 0 : i32
    %c0_i32_0 = arith.constant 0 : i32
    %c0_i32_1 = arith.constant 0 : i32
    return %arg0, %c0_i32, %c0_i32_0 : i32, i32, i32
  }
  func.func @transform_4(%arg0: i32, %arg1: memref<64xi32, #tpu.memory_space<smem>>, %arg2: memref<64xi32, #tpu.memory_space<smem>>) -> (i32, i32, i32) {
    %c0_i32 = arith.constant 0 : i32
    %c0_i32_0 = arith.constant 0 : i32
    %c0_i32_1 = arith.constant 0 : i32
    return %arg0, %c0_i32, %c0_i32_0 : i32, i32, i32
  }
  func.func @transform_5(%arg0: i32, %arg1: memref<64xi32, #tpu.memory_space<smem>>, %arg2: memref<64xi32, #tpu.memory_space<smem>>) -> (i32, i32) {
    %c0_i32 = arith.constant 0 : i32
    %c0_i32_0 = arith.constant 0 : i32
    %c0_i32_1 = arith.constant 0 : i32
    return %c0_i32, %c0_i32_0 : i32, i32
  }
  func.func @transform_6(%arg0: i32, %arg1: memref<64xi32, #tpu.memory_space<smem>>, %arg2: memref<64xi32, #tpu.memory_space<smem>>) -> (i32, i32, i32) {
    %c0_i32 = arith.constant 0 : i32
    %c0_i32_0 = arith.constant 0 : i32
    %c0_i32_1 = arith.constant 0 : i32
    return %arg0, %c0_i32, %c0_i32_0 : i32, i32, i32
  }
}

</mosaic_0001>

<sc_bundles>
// kernel: scatter_offload_async_start.1
scs
__scs_entry_jumppad:
0x0: {  	(pc) =	sbr.rel $0x88, $3  }
0x1: {  	(tag) =	ssettag $0x0;
	lr =	simm.s32 $0x1  }
0x2: {  	[smem:$0x3F95] =	sst lr;
	_ =	strace $0xD0000000  }
0x3: {  	_ = 	snop  }
0x4: {  	_ = 	snop  }
0x5: {  	_ = 	snop  }
0x6: {  	_ = 	snop  }
0x7: {  	_ = 	snop  }
__scs_overlays_trampoline_lowered:
0x8: {  	[smem:$0x3FA4] =	sst s0  }
0x9: {  	[smem:$0x3FA5] =	sst s1  }
0xa: {  	[smem:$0x3FA6] =	sst s2  }
0xb: {  	[smem:$0x3FA7] =	sst s3  }
0xc: {  	[smem:$0x3FA8] =	sst s4  }
0xd: {  	[smem:$0x3FA9] =	sst s5  }
0xe: {  	[smem:$0x3FAA] =	sst s6  }
0xf: {  	[smem:$0x3FAB] =	sst s7  }
0x10: {  	[smem:$0x3FAC] =	sst s8  }
0x11: {  	[smem:$0x3FAD] =	sst s9;
	s0 =	simm.s32 @!p0 $0x0  }
0x12: {  	s1 =	sld [smem:$0x3F93];
	s0 =	simm.s32 @p0 $0x1  }
0x13: {  	[smem:$0x3FAE] =	sst s0;
	s0 =	simm.s32 @!p1 $0x0  }
0x14: {  	s2 =	sld [smem:$0x3F92];
	s0 =	simm.s32 @p1 $0x1  }
0x15: {  	[smem:$0x3FAF] =	sst s0;
	s0 =	simm.s32 @!p2 $0x0  }
0x16: {  	s3 =	sld [smem:$0x3FDB];
	s0 =	simm.s32 @p2 $0x1  }
0x17: {  	s4 =	simm.s32 $0x1BF5;
	[smem:$0x3FB1] =	sst s0  }
0x18: {  	s0 =	sld [smem:$0x3F94];
	_ =	swait.ge [sflag:s4], $0x0  }
0x19: {  	s7 =	sld [smem:$0x3F95]  }
0x1a: {  	s8 =	sadd.s32 $0xFFFFE003, lr  }
0x1b: {  	s9 =	sadd.s32 $0xFFFFFEF7, lr;
	s5 =	simm.s32 $0xFFFFFFFF;
	p2 =	slt.u32 s8, $0xFFFFF086  }
0x1c: {  	p1 =	slt.u32 s9, $0xF7A;
	s5 =	simm.s32 @!p2 $0x0  }
0x1d: {  	s5 =	simm.s32 @p1 $0x1;
	p0 =	seq.s32 s7, s2  }
0x1e: {  	s7 =	smul.u32 @!p0 $0xF7A, s2;
	p2 =	seq.s32 @!p0 s5, $0x0  }
0x1f: {  	s9 =	smul.u32 $0xF7A, s1;
	s8 =	simm.s32 @!p0 $0x1BF5;
	p2 =	por !p2, p0  }
0x20: {  	[sflag:s8] =	ssyncset.s32 @!p0 $0xFFFFF086;
	s6 =	sadd.s32 @!p0 s3, s7;
	s7 =	simm.s32 @!p0 $0x108  }
0x21: {  	s3 =	sadd.s32 s3, s9;
	s6 =	sadd.s32 @!p0 $0x88, s6;
	s7 =	simm.s32 @p2 $0x1082  }
0x22: {  	[simem:s7], [sflag:s8] =	dma.local @!p0 [hbm:s6], $0xF7A  }
0x23: {  	s9 =	sor.u32 $0xD0000000, s2;
	s6 =	simm.s32 $0x108;
	_ =	swait.ge @!p0 [sflag:s8], $0x0  }
0x24: {  	s3 =	sadd.s32 $0x88, s3;
	s6 =	simm.s32 @!p1 $0x1082;
	[sflag:s4] =	ssyncset.s32 $0xFFFFF086  }
0x25: {  	[simem:s6], [sflag:s4] =	dma.local [hbm:s3], $0xF7A  }
0x26: {  	[smem:$0x3F95] =	sst s1;
	(tag) =	ssettag s2;
	_ =	strace s9  }
0x27: {  	s1 =	sld [smem:$0x3FA5]  }
0x28: {  	s2 =	sld [smem:$0x3FA6]  }
0x29: {  	s4 =	sld [smem:$0x3FA8]  }
0x2a: {  	p0 =	seq.s32 s5, $0x0;
	s5 =	sld [smem:$0x3FA9]  }
0x2b: {  	s6 =	sld [smem:$0x3FAA]  }
0x2c: {  	s7 =	sld [smem:$0x3FAB]  }
0x2d: {  	s3 =	simm.s32 $0x108;
	s8 =	sld [smem:$0x3FAC]  }
0x2e: {  	s3 =	simm.s32 @!p0 $0x1082;
	s9 =	sld [smem:$0x3FAD]  }
0x2f: {  	lr =	sadd.s32 s0, s3;
	s0 =	sld [smem:$0x3FA4]  }
0x30: {  	s3 =	sld [smem:$0x3FA7]  }
0x31: {  	[smem:$0x3FB0] =	sst s10  }
0x32: {  	s10 =	sld [smem:$0x3FAE];
	_ =	sdelay $0x3  }
0x33: {  	p0 =	seq.s32 s10, $0x1;
	s10 =	sld [smem:$0x3FB0];
	_ =	sdelay $0x3  }
0x34: {  	[smem:$0x3FB0] =	sst s10  }
0x35: {  	s10 =	sld [smem:$0x3FAF];
	_ =	sdelay $0x3  }
0x36: {  	p1 =	seq.s32 s10, $0x1;
	s10 =	sld [smem:$0x3FB0];
	_ =	sdelay $0x3  }
0x37: {  	[smem:$0x3FB0] =	sst s10  }
0x38: {  	s10 =	sld [smem:$0x3FB1]  }
0x39: {  	_ = 	snop;
	(pc) =	sbr.ind lr, $3  }
0x3a: {  	_ = 	snop  }
0x3b: {  	_ = 	snop  }
0x3c: {  	p2 =	seq.s32 s10, $0x1;
	s10 =	sld [smem:$0x3FB0]  }
0x3d: {  	_ =	shalt  }
0x3e: {  	_ =	shalt  }
0x3f: {  	_ =	shalt  }
0x40: {  	_ =	shalt  }
0x41: {  	_ =	shalt  }
0x42: {  	_ =	shalt  }
0x43: {  	_ =	shalt  }
0x44: {  	_ =	shalt  }
0x45: {  	_ =	shalt  }
0x46: {  	_ =	shalt  }
0x47: {  	_ =	shalt  }
0x48: {  	_ =	shalt  }
0x49: {  	_ =	shalt  }
0x4a: {  	_ =	shalt  }
0x4b: {  	_ =	shalt  }
0x4c: {  	_ =	shalt  }
0x4d: {  	_ =	shalt  }
0x4e: {  	_ =	shalt  }
0x4f: {  	_ =	shalt  }
0x50: {  	_ =	shalt  }
0x51: {  	_ =	shalt  }
0x52: {  	_ =	shalt  }
0x53: {  	_ =	shalt  }
0x54: {  	_ =	shalt  }
0x55: {  	_ =	shalt  }
0x56: {  	_ =	shalt  }
0x57: {  	_ =	shalt  }
0x58: {  	_ =	shalt  }
0x59: {  	_ =	shalt  }
0x5a: {  	_ =	shalt  }
0x5b: {  	_ =	shalt  }
0x5c: {  	_ =	shalt  }
0x5d: {  	_ =	shalt  }
0x5e: {  	_ =	shalt  }
0x5f: {  	_ =	shalt  }
0x60: {  	_ =	shalt  }
0x61: {  	_ =	shalt  }
0x62: {  	_ =	shalt  }
0x63: {  	_ =	shalt  }
0x64: {  	_ =	shalt  }
0x65: {  	_ =	shalt  }
0x66: {  	_ =	shalt  }
0x67: {  	_ =	shalt  }
0x68: {  	_ =	shalt  }
0x69: {  	_ =	shalt  }
0x6a: {  	_ =	shalt  }
0x6b: {  	_ =	shalt  }
0x6c: {  	_ =	shalt  }
0x6d: {  	_ =	shalt  }
0x6e: {  	_ =	shalt  }
0x6f: {  	_ =	shalt  }
0x70: {  	_ =	shalt  }
0x71: {  	_ =	shalt  }
0x72: {  	_ =	shalt  }
0x73: {  	_ =	shalt  }
0x74: {  	_ =	shalt  }
0x75: {  	_ =	shalt  }
0x76: {  	_ =	shalt  }
0x77: {  	_ =	shalt  }
0x78: {  	_ =	shalt  }
0x79: {  	_ =	shalt  }
0x7a: {  	_ =	shalt  }
0x7b: {  	_ =	shalt  }
0x7c: {  	_ =	shalt  }
0x7d: {  	_ =	shalt  }
0x7e: {  	_ =	shalt  }
0x7f: {  	_ =	shalt  }
0x80: {  	_ =	shalt  }
0x81: {  	_ =	shalt  }
0x82: {  	_ =	shalt  }
0x83: {  	_ =	shalt  }
0x84: {  	_ =	shalt  }
0x85: {  	_ =	shalt  }
0x86: {  	_ =	shalt  }
0x87: {  	_ =	shalt  }
.Lfunc_end0:
.L_simem_size_0:
called_computation.1_lowered:
.L_overlay_start_0:
0x88: {  	s0 =	sld [smem:$0x3FD9]  }
0x89: {  	s1 =	sld [smem:$0x3FFE];
	_ =	sdelay $0x3  }
0x8a: {  	s0 =	sadd.s32 s1, s0  }
0x8b: {  	[smem:$0x3FBC] =	sst s0  }
0x8c: {  	_ = 	snop  }
0x8d: {  	s14 =	sld [smem:$0x3FD0];
	(tm) =	ssettm $0x1  }
0x8e: {  	s15 =	sld [smem:$0x3FFB];
	_ =	sdelay $0x3  }
0x8f: {  	_ =	strace s15  }
0x90: {  	s0 =	sld [smem:$0x3FFC];
	_ =	sdelay $0x3  }
0x91: {  	_ =	strace s0  }
0x92: {  	s0 =	sld [smem:$0x3FFD];
	_ =	sdelay $0x3  }
0x93: {  	_ =	strace s0  }
0x94: {  	_ =	strace $0x8FFFFFFF  }
0x95: {  	s16 =	sld [smem:$0x3FDB];
	_ =	sdelay $0x1  }
0x96: {  	s2 =	simm.s32 $_scs_section_size  }
0x97: {  	s3 =	simm.s32 $_size__tile_overlayer_lowered;
	s4 =	simm.s32 $_tile_overlayer_lowered  }
0x98: {  	s5 =	simm.s32 $0x1BFF;
	s17 =	sshll.u32 s4, $0x1;
	s2 =	sadd.s32 s2, s16  }
0x99: {  	s18 =	simm.s32 $0x0;
	s3 =	sshll.u32 s3, $0x1;
	s4 =	sadd.s32 s17, s2  }
0x9a: {  	[timem:s18], [sflag:s5] =	dma.local [hbm:s4], s3  }
0x9b: {  	_ =	swait.ge [sflag:s5], s3  }
0x9c: {  	s3 =	ssub.s32 $0x0, s3;
	[sflag:s5] =	ssyncset.done $0x0  }
0x9d: {  	[sflag:s5] =	ssyncadd.s32 s3;
	_ =	sdelay $0x1  }
0x9e: {  	s19 =	simm.s32 $0x1B8B  }
0x9f: {  	_ =	swait.ge [sflag:s19], $0x1  }
0xa0: {  	[sflag:s19] =	ssyncset.done $0x0  }
0xa1: {  	s21 =	simm.s32 $0x1B8E;
	s20 =	sld [smem:$0x3FFE];
	[sflag:s19] =	ssyncadd.s32 $0xFFFFFFFF  }
0xa2: {  	s22 =	simm.s32 $execute0_lowered;
	[smem:$0x3FD2] =	sst s21  }
0xa3: {  	s4 =	sshll.u32 s22, $0x1;
	_ =	strace $0x8000004F;
	[dreg:$0x1] =	wrdreg $0xFFFFFFFF  }
0xa4: {  	s23 =	simm.s32 $_size_execute0_lowered;
	s4 =	sadd.s32 s2, s4;
	[dreg:$0x0] =	wrdreg $0x0  }
0xa5: {  	s5 =	sshll.u32 s23, $0x1;
	[dreg:$0x2] =	wrdreg s4  }
0xa6: {  	[dreg:$0x3] =	wrdreg s5  }
0xa7: {  	[dreg:$0x4] =	wrdreg $0xC0  }
0xa8: {  	s24 =	simm.s32 $execute1_lowered;
	_ =	task [dreg:s18], $0x5FFFF  }
0xa9: {  	s4 =	sshll.u32 s24, $0x1;
	[dreg:$0x1] =	wrdreg $0xFFFFFFFF  }
0xaa: {  	s2 =	sadd.s32 s2, s4;
	[dreg:$0x0] =	wrdreg $0x60  }
0xab: {  	[dreg:$0x2] =	wrdreg s2  }
0xac: {  	[dreg:$0x3] =	wrdreg s14  }
0xad: {  	[dreg:$0x4] =	wrdreg s20  }
0xae: {  	[dreg:$0x5] =	wrdreg $0x9  }
0xaf: {  	_ =	task.clear_ibuf [dreg:s18], $0x6FFFF;
	_ =	strace $0x9000004F  }
0xb0: {  	s25 =	simm.s32 $0x9;
	_ =	strace $0x80000051  }
0xb1: {  	_ =	swait.ge [sflag:s25], $0x1  }
0xb2: {  	[sflag:s25] =	ssyncadd.s32 $0xFFFFFFFF  }
0xb3: {  	_ =	strace $0x90000051  }
0xb4: {  	_ =	strace $0x80000052;
	[dreg:$0x1] =	wrdreg $0xFFFFFFFF  }
0xb5: {  	[dreg:$0x0] =	wrdreg $0x2030  }
0xb6: {  	[dreg:$0x2] =	wrdreg s20  }
0xb7: {  	[dreg:$0x3] =	wrdreg $0xA  }
0xb8: {  	_ =	task.clear_ibuf [dreg:s18], $0x4FFFF;
	_ =	strace $0x90000052  }
0xb9: {  	s26 =	simm.s32 $0xA;
	_ =	strace $0x80000054  }
0xba: {  	_ =	swait.ge [sflag:s26], $0x1  }
0xbb: {  	[sflag:s26] =	ssyncadd.s32 $0xFFFFFFFF  }
0xbc: {  	_ =	strace $0x90000054  }
0xbd: {  	_ =	sfence  }
0xbe: {  	s28 =	sld [smem:$0x0];
	_ =	sdelay $0x1  }
0xbf: {  	s29 =	srdreg.scid  }
0xc0: {  	s30 =	sshll.u32 s29, $0xD;
	s31 =	sshrl.u32 s29, $0x2  }
0xc1: {  	s3 =	sand.u32 $0x4000, s30;
	s2 =	sand.u32 $0x1, s29;
	s1 =	sadd.s32 s31, s28  }
0xc2: {  	s2 =	sor.u32 s3, s2;
	s1 =	sshll.u32 s1, $0x11  }
0xc3: {  	s1 =	sor.u32 s1, s2  }
0xc4: {  	s1 =	sadd.s32 $0x8F2B, s1  }
0xc5: {  	[sflag:s1] =	ssyncadd.remote.s32 $0x1  }
0xc6: {  	_ =	sfence.sel $0xFFFF  }
0xc7: {  	[dreg:$0x0] =	wrdreg $0xFFFFFFFF;
	(pc) =	sbr.abs _section_cstart, $3  }
0xc8: {  	[dreg:$0x1] =	wrdreg $0xFFFFFFFF  }
0xc9: {  	_ =	task.clear_ibuf [dreg:s18], $0x2FFFF;
	_ =	strace $0x9FFFFFFF  }
0xca: {  	(tm) =	ssettm $0x7FFFFFFF  }
0xcb: {  	_ =	shalt  }
tec
execute0_lowered:
.L_overlay_start_1:
0x0: {  	(tag) =	ssettag $0x1  }
0x1: {  	s3 =	rddreg [dreg:$0x0]  }
0x2: {  	s6 =	rddreg [dreg:$0x1]  }
0x3: {  	s5 =	rddreg [dreg:$0x2]  }
0x4: {  	s0 =	rddreg [dreg:$0x3];
	s2 =	stileid.u32;
	s1 =	simm.s32 $_size_execute1_lowered  }
0x5: {  	[bflag:$0x3] =	sbarrier.arrive $0xFFFF;
	p0 =	sne.s32 s2, $0x0;
	s1 =	sshll.u32 s1, $0x1  }
0x6: {  	s31 =	sshll.u32 s2, $0x3;
	s4 =	simm.s32 @!p0 $0x1C3F;
	s7 =	simm.s32 @!p0 $0x4060  }
0x7: {  	[timem:s7], [sflag:s4] =	dma.local @!p0 [hbm:s3], s1  }
0x8: {  	s7 =	ssub.s32 $0x8, s31  }
0x9: {  	p1 =	sgt.s32 s7, $0x0  }
0xa: {  	s7 =	simm.s32 @!p1 $0x0  }
0xb: {  	s7 =	sand.u32 $0x78, s7  }
0xc: {  	s10 =	simm.s32 $0x3;
	p1 =	sne.s32 s7, $0x0  }
0xd: {  	s10 =	simm.s32 @!p1 $0x2  }
0xe: {  	p3 =	sne.s32 s10, $0x1  }
.Ltmp0:
0xf: {  	s9 =	simm.s32 $0x0;
	s8 =	simm.s32 $0x1;
	(pc) =	sbr.rel @!p3 .LBB2_1-.Ltmp0, $4  }
0x10: {  	s13 =	simm.s32 $0xFFFFFFFF;
	s5 =	sadd.s32 $0x400, s5;
	s6 =	sadd.s32 s2, s6  }
0x11: {  	s3 =	simm.s32 $0x1;
	_ =	strace $0x80000050;
	s7 =	simm.s32 $0x1  }
0x12: {  	s4 =	simm.s32 $0x2;
	[sflag:s3] =	ssyncpa.u1 $0x0;
	s7 =	simm.s32 @!p1 $0x0  }
0x13: {  	[sflag:s4] =	ssyncpa.u1 $0x0;
	p1 =	por $0x0, $0x0;
	p2 =	sle.u32 s7, $0x0  }
0x14: {  	p1 =	sle.u32 s7, $0xFFFFFFFF  }
0x15: {  	s11 =	simm.s32 @!p2 $0x8;
	s12 =	simm.s32 @!p2 $0x0;
	s13 =	simm.s32 @!p1 $0x1  }
0x16: {  	[tilespmem:s11], [sflag:$0x1] =	stream.linear.gather @!p2 [hbm4b:s6+s12], $0x8, $0x38;
	[tilespmem:$0x20] =	vst v63  }
0x17: {  	_ =	swait.ge @!p1 [sflag:s13], $0x8  }
0x18: {  	[sflag:s13] =	ssyncset.done @!p1 $0x0  }
0x19: {  	s9 =	sand.u32 @!p1 $0x8, s9;
	[sflag:s13] =	ssyncadd.s32 @!p1 $0xFFFFFFF8  }
0x1a: {  	v0 =	vld.msk @!p1 [tilespmem:s9+$0x0], $0xff;
	_ =	sdelay $0x2  }
0x1b: {  	p4 =	sne.s32 s10, $0x2  }
.Ltmp1:
0x1c: {  	p3 =	por $0x1, $0x1;
	s9 =	sor.u32 @!p1 $0x10, s9;
	(pc) =	sbr.rel @!p4 .LBB2_4-.Ltmp1, $4  }
0x1d: {  	s11 =	simm.s32 $0x2;
	s12 =	sadd.s32 @!p1 s5, s2;
	s13 =	simm.s32 @!p1 $0x0;
	[tilespmem:s9+$0x0] =	vst.msk @!p1 $0xff, v0  }
0x1e: {  	[hbm4b:s12+s13] =	stream.linear.scatter @!p1 [tilespmem:s9], [sflag:$0x2], $0x8, $0x38;
	[tilespmem:$0x20] =	vst v63  }
0x1f: {  	p2 =	sle.u32 s7, $0x1;
	s12 =	simm.s32 @!p3 $0x2;
	s9 =	simm.s32 $0x8  }
0x20: {  	s13 =	simm.s32 $0x0;
	p1 =	por $0x1, $0x1;
	_ =	swait.ge @!p3 [sflag:s12], $0x8  }
.LBB2_3:
0x21: {  	s14 =	simm.s32 @!p2 $0x8;
	p4 =	sge.u32 s13, s7;
	[sflag:s12] =	ssyncset.done @!p3 $0x0  }
0x22: {  	s13 =	simm.s32 @!p2 $0x0;
	s15 =	simm.s32 @!p4 $0x1;
	[sflag:s12] =	ssyncadd.s32 @!p3 $0xFFFFFFF8  }
0x23: {  	[tilespmem:s14], [sflag:$0x1] =	stream.linear.gather @!p2 [hbm4b:s6+s13], $0x8, $0x38;
	[tilespmem:$0x20] =	vst v63  }
0x24: {  	s13 =	smov.u32 s11;
	s11 =	sadd.s32 $0x1, s11;
	_ =	swait.ge @!p4 [sflag:s15], $0x8  }
0x25: {  	s12 =	sand.u32 @!p4 $0x8, s9;
	p5 =	sne.s32 s11, s10;
	[sflag:s15] =	ssyncset.done @!p4 $0x0  }
0x26: {  	[sflag:s15] =	ssyncadd.s32 @!p4 $0xFFFFFFF8  }
0x27: {  	v0 =	vld.msk @!p4 [tilespmem:s12+$0x0], $0xff;
	_ =	sdelay $0x2  }
.Ltmp2:
0x28: {  	s14 =	sor.u32 @!p4 $0x10, s12;
	(pc) =	sbr.rel @p5 .LBB2_3-.Ltmp2, $4  }
0x29: {  	s16 =	simm.s32 @!p4 $0x0;
	p3 =	slt.u32 s8, $0x2;
	s15 =	sadd.s32 @!p4 s5, s2  }
0x2a: {  	s9 =	sadd.s32 $0x8, s9;
	s8 =	smov.u32 s13;
	s12 =	simm.s32 @!p3 $0x2;
	[tilespmem:s14+$0x0] =	vst.msk @!p4 $0xff, v0  }
0x2b: {  	[hbm4b:s15+s16] =	stream.linear.scatter @!p4 [tilespmem:s14], [sflag:$0x2], $0x8, $0x38;
	[tilespmem:$0x20] =	vst v63  }
0x2c: {  	p2 =	sge.u32 s8, s7;
	s13 =	sadd.s32 $0xFFFFFFFF, s8;
	_ =	swait.ge @!p3 [sflag:s12], $0x8  }
.LBB2_4:
0x2d: {  	p3 =	por p3, !p1  }
0x2e: {  	s10 =	simm.s32 @!p2 $0x8;
	p1 =	sge.u32 s13, s7;
	[sflag:s12] =	ssyncset.done @!p3 $0x0  }
0x2f: {  	s7 =	simm.s32 @!p2 $0x0;
	s11 =	simm.s32 @!p1 $0x1;
	[sflag:s12] =	ssyncadd.s32 @!p3 $0xFFFFFFF8  }
0x30: {  	[tilespmem:s10], [sflag:$0x1] =	stream.linear.gather @!p2 [hbm4b:s6+s7], $0x8, $0x38;
	[tilespmem:$0x20] =	vst v63  }
0x31: {  	_ =	swait.ge @!p1 [sflag:s11], $0x8  }
0x32: {  	[sflag:s11] =	ssyncset.done @!p1 $0x0  }
0x33: {  	s6 =	sand.u32 @!p1 $0x8, s9;
	[sflag:s11] =	ssyncadd.s32 @!p1 $0xFFFFFFF8  }
0x34: {  	v0 =	vld.msk @!p1 [tilespmem:s6+$0x0], $0xff;
	_ =	sdelay $0x3  }
0x35: {  	p2 =	slt.u32 s8, $0x2;
	s6 =	sor.u32 @!p1 $0x10, s6  }
0x36: {  	s2 =	sadd.s32 @!p1 s5, s2;
	s5 =	simm.s32 @!p1 $0x0;
	s7 =	simm.s32 @!p2 $0x2;
	[tilespmem:s6+$0x0] =	vst.msk @!p1 $0xff, v0  }
0x37: {  	[hbm4b:s2+s5] =	stream.linear.scatter @!p1 [tilespmem:s6], [sflag:$0x2], $0x8, $0x38;
	[tilespmem:$0x20] =	vst v63  }
0x38: {  	_ =	swait.ge @!p2 [sflag:s7], $0x8  }
0x39: {  	[sflag:s7] =	ssyncset.done @!p2 $0x0  }
0x3a: {  	[sflag:s7] =	ssyncadd.s32 @!p2 $0xFFFFFFF8  }
0x3b: {  	_ =	sfence.sel $0x180000  }
0x3c: {  	[bflag:$0x0] =	sbarrier.arrive $0xFFFF  }
0x3d: {  	[sflag:s3] =	ssyncpa.u1 $0x1  }
0x3e: {  	[sflag:s4] =	ssyncpa.u1 $0x1  }
0x3f: {  	_ =	strace $0x90000050  }
0x40: {  	s0 =	sadd.s32 @!p0 $0x100000, s0;
	[bflag:$0x2] =	sbarrier.arrive $0xFFFF  }
0x41: {  	[sflag:s0] =	ssyncadd.tile.s32 @!p0 $0x1;
	s0 =	simm.s32 @!p0 $0x3F  }
0x42: {  	_ =	swait.ge @!p0 [sflag:s0], s1  }
0x43: {  	s1 =	ssub.s32 @!p0 $0x0, s1;
	[sflag:s0] =	ssyncset.done @!p0 $0x0  }
0x44: {  	[sflag:s0] =	ssyncadd.s32 @!p0 s1  }
0x45: {  	[bflag:$0x3] =	sbarrier.arrive $0xFFFF  }
0x46: {  	_ =	shalt  }
.LBB2_1:
.Ltmp3:
0x47: {  	(pc) =	sbr.rel .LBB2_4-.Ltmp3, $2  }
0x48: {  	_ =	sdelay $0x2  }
0x49: {  	s8 =	simm.s32 $0x0  }
.Lfunc_end2:
execute1_lowered:
.L_overlay_start_2:
0x4a: {  	(tag) =	ssettag $0x2  }
0x4b: {  	s4 =	rddreg [dreg:$0x0]  }
0x4c: {  	s0 =	rddreg [dreg:$0x1];
	_ =	strace $0x80000053;
	s3 =	stileid.u32  }
0x4d: {  	s5 =	simm.s32 $0x3E;
	s1 =	sadd.s32 $0x400, s4;
	p0 =	sne.s32 s3, $0x0  }
0x4e: {  	[sflag:s5] =	ssyncpa.u1 $0x0;
	s31 =	smin.u32 s3, $0x8;
	p1 =	slt.u32 s3, $0x8  }
0x4f: {  	s3 =	simm.s32 $0x10;
	s6 =	simm.s32 @!p0 $0x1C3E;
	s2 =	simm.s32 @!p0 $0x0  }
0x50: {  	[spmem:s2], [sflag:s6] =	dma.local @!p0 [hbm:s1], $0x10  }
0x51: {  	s3 =	simm.s32 @!p1 $0x0;
	s6 =	sshll.u32 s31, $0x4  }
0x52: {  	s3 =	sadd.s32 s3, s6  }
0x53: {  	s9 =	smin.u32 s3, $0x80  }
0x54: {  	s8 =	ssub.s32 s9, s6  }
0x55: {  	p1 =	sgt.s32 s8, $0x0  }
0x56: {  	s7 =	simm.s32 @!p0 $0x3E;
	s8 =	simm.s32 @!p1 $0x0  }
0x57: {  	_ =	swait.ge @!p0 [sflag:s7], $0x10;
	s10 =	sshrl.u32 s8, $0x4  }
0x58: {  	[sflag:s7] =	ssyncset.done @!p0 $0x0;
	s11 =	sadd.s32 $0x1, s10  }
0x59: {  	[sflag:s7] =	ssyncadd.s32 @!p0 $0xFFFFFFF0;
	p1 =	sne.s32 s11, $0x1  }
.Ltmp4:
0x5a: {  	p3 =	por $0x0, $0x0;
	[bflag:$0x0] =	sbarrier.arrive $0xFFFF;
	(pc) =	sbr.rel @!p1 .LBB3_1-.Ltmp4, $4  }
0x5b: {  	s3 =	simm.s32 $0x1;
	s7 =	sadd.s32 $0x200, s4;
	[sflag:s5] =	ssyncpa.u1 $0x1  }
0x5c: {  	s5 =	simm.s32 $0x2;
	s8 =	simm.s32 $0x0;
	p2 =	sle.u32 s10, $0x0  }
0x5d: {  	[sflag:s3] =	ssyncpa.u1 $0x0;
	(ifvalue) =	ssetifvalue $0x80;
	s12 =	sxor.u32 @!p2 $0xFFFFFFFF, s8  }
0x5e: {  	[sflag:s5] =	ssyncpa.u1 $0x0;
	s15 =	sshrl.u32 @!p2 s6, $0x3;
	s16 =	sand.u32 @!p2 $0x10, s12  }
0x5f: {  	s12 =	sadd.s32 @!p2 s4, s15  }
0x60: {  	s13 =	sor.u32 @!p2 $0x8, s16;
	s14 =	sand.u32 @!p2 $0x7, s6;
	p1 =	por $0x1, $0x1  }
0x61: {  	[tilespmem:s13], [sflag:$0x2] =	stream.linear.gather @!p2 [hbm4b:s12+s14], $0x10, $0x38;
	[tilespmem:$0x48] =	vst v63  }
0x62: {  	s15 =	sadd.s32 @!p2 s7, s15;
	s12 =	sor.u32 @!p2 $0x28, s16;
	s13 =	simm.s32 @!p1 $0x2  }
0x63: {  	[tilespmem:s12], [sflag:$0x2] =	stream.linear.gather @!p2 [hbm4b:s15+s14], $0x10, $0x38;
	[tilespmem:$0x48] =	vst v63  }
0x64: {  	_ =	swait.ge @!p1 [sflag:s13], $0x20  }
0x65: {  	s8 =	sand.u32 @!p1 $0x10, s8;
	[sflag:s13] =	ssyncset.done @!p1 $0x0  }
0x66: {  	s12 =	sor.u32 @!p1 $0x8, s8;
	[sflag:s13] =	ssyncadd.s32 @!p1 $0xFFFFFFE0  }
0x67: {  	v0 =	vld.msk @!p1 [tilespmem:s12+$0x0 ss:$0x1], $0xffff;
	_ =	sdelay $0x3  }
0x68: {  	p4 =	sne.s32 s11, $0x2  }
.Ltmp5:
0x69: {  	s18 =	simm.s32 @!p1 $0x0;
	s17 =	simm.s32 @!p1 $0x1;
	v0 =	vmin.u32 @!p1 v0, $0x80;
	(pc) =	sbr.rel @!p4 .LBB3_3-.Ltmp5, $4  }
0x6a: {  	s15 =	sadd.s32 $0x10, s6;
	p2 =	sle.u32 s10, $0x1;
	s14 =	smov.u32 s6  }
0x6b: {  	p3 =	slt.s32 s15, s9;
	s13 =	sor.u32 @!p1 $0x28, s8;
	s8 =	simm.s32 $0x10  }
0x6c: {  	s14 =	smov.u32 @p3 s15;
	p3 =	por $0x1, $0x1;
	s16 =	sxor.u32 @!p2 $0xFFFFFFFF, s8  }
0x6d: {  	vm0 =	vmmov @!p1 $0xffff;
	s15 =	sshrl.u32 @!p2 s14, $0x3;
	s12 =	simm.s32 $0x2;
	s16 =	sand.u32 @!p2 $0x10, s16  }
.LBB3_4:
0x6e: {  	[spmem:s18] =	stream.indirect_vreg.scatter.add.s32 @!p1 [tilespmem:s13], [sflag:$0x1], $0x1, v0, vm0, $0x4038;
	[tilespmem:$0x48] =	vst v63  }
0x6f: {  	s13 =	sadd.s32 @!p2 s4, s15;
	s18 =	sor.u32 @!p2 $0x8, s16;
	_ =	swait.ge @!p1 [sflag:s17], $0x10  }
0x70: {  	s19 =	smov.u32 s12;
	s12 =	sadd.s32 $0x1, s12;
	[sflag:s17] =	ssyncset.done @!p1 $0x0  }
0x71: {  	s20 =	sand.u32 @!p2 $0x7, s14;
	[sflag:s17] =	ssyncadd.s32 @!p1 $0xFFFFFFF0;
	p1 =	seq.s32 s8, $0x0  }
0x72: {  	[tilespmem:s18], [sflag:$0x2] =	stream.linear.gather @!p2 [hbm4b:s13+s20], $0x10, $0x38;
	[tilespmem:$0x48] =	vst v63  }
0x73: {  	s16 =	sor.u32 @!p2 $0x28, s16;
	s17 =	simm.s32 @!p1 $0x2;
	s13 =	sand.u32 @!p1 $0x10, s8  }
0x74: {  	s15 =	sadd.s32 @!p2 s7, s15;
	s18 =	sor.u32 @!p1 $0x8, s13;
	s13 =	sor.u32 @!p1 $0x28, s13  }
0x75: {  	[tilespmem:s16], [sflag:$0x2] =	stream.linear.gather @!p2 [hbm4b:s15+s20], $0x10, $0x38;
	[tilespmem:$0x48] =	vst v63  }
0x76: {  	p4 =	sne.s32 s11, s12;
	_ =	swait.ge @!p1 [sflag:s17], $0x20  }
0x77: {  	[sflag:s17] =	ssyncset.done @!p1 $0x0  }
0x78: {  	[sflag:s17] =	ssyncadd.s32 @!p1 $0xFFFFFFE0  }
0x79: {  	v0 =	vld.msk @!p1 [tilespmem:s18+$0x0 ss:$0x1], $0xffff;
	_ =	sdelay $0x5  }
.Ltmp6:
0x7a: {  	s8 =	sadd.s32 $0x10, s8;
	v0 =	vmin.u32 @!p1 v0, $0x80;
	(pc) =	sbr.rel @p4 .LBB3_4-.Ltmp6, $4  }
0x7b: {  	vm0 =	vmmov @!p1 $0xffff;
	s15 =	sadd.s32 $0x10, s14;
	p2 =	sge.u32 s19, s10;
	s18 =	simm.s32 @!p1 $0x0  }
0x7c: {  	s14 =	smov.u32 s6;
	p5 =	slt.s32 s15, s9;
	s17 =	simm.s32 @!p1 $0x1  }
0x7d: {  	s16 =	sxor.u32 @!p2 $0xFFFFFFFF, s8;
	s14 =	smov.u32 @p5 s15  }
0x7e: {  	s16 =	sand.u32 @!p2 $0x10, s16;
	s15 =	sshrl.u32 @!p2 s14, $0x3  }
0x7f: {  	s6 =	smov.u32 s14  }
.LBB3_6:
0x80: {  	_ =	sdelay $0x2  }
0x81: {  	p3 =	por p1, !p3  }
0x82: {  	[spmem:s18] =	stream.indirect_vreg.scatter.add.s32 @!p3 [tilespmem:s13], [sflag:$0x1], $0x1, v0, vm0, $0x4038;
	[tilespmem:$0x48] =	vst v63  }
0x83: {  	_ =	swait.ge @!p3 [sflag:s17], $0x10  }
0x84: {  	s4 =	sadd.s32 @!p2 s4, s15;
	s9 =	sor.u32 @!p2 $0x8, s16;
	[sflag:s17] =	ssyncset.done @!p3 $0x0  }
0x85: {  	s6 =	sand.u32 @!p2 $0x7, s6;
	p1 =	seq.s32 s8, $0x0;
	[sflag:s17] =	ssyncadd.s32 @!p3 $0xFFFFFFF0  }
0x86: {  	[tilespmem:s9], [sflag:$0x2] =	stream.linear.gather @!p2 [hbm4b:s4+s6], $0x10, $0x38;
	[tilespmem:$0x48] =	vst v63  }
0x87: {  	s7 =	sadd.s32 @!p2 s7, s15;
	s4 =	sor.u32 @!p2 $0x28, s16;
	s9 =	simm.s32 @!p1 $0x2  }
0x88: {  	[tilespmem:s4], [sflag:$0x2] =	stream.linear.gather @!p2 [hbm4b:s7+s6], $0x10, $0x38;
	[tilespmem:$0x48] =	vst v63  }
0x89: {  	_ =	swait.ge @!p1 [sflag:s9], $0x20  }
0x8a: {  	s4 =	sand.u32 @!p1 $0x10, s8;
	[sflag:s9] =	ssyncset.done @!p1 $0x0  }
0x8b: {  	s6 =	sor.u32 @!p1 $0x8, s4;
	[sflag:s9] =	ssyncadd.s32 @!p1 $0xFFFFFFE0  }
0x8c: {  	v0 =	vld.msk @!p1 [tilespmem:s6+$0x0 ss:$0x1], $0xffff;
	_ =	sdelay $0x4  }
0x8d: {  	v0 =	vmin.u32 @!p1 v0, $0x80;
	_ =	sdelay $0x3  }
0x8e: {  	vm0 =	vmmov @!p1 $0xffff;
	s7 =	simm.s32 @!p1 $0x1;
	s4 =	sor.u32 @!p1 $0x28, s4;
	s6 =	simm.s32 @!p1 $0x0  }
0x8f: {  	[spmem:s6] =	stream.indirect_vreg.scatter.add.s32 @!p1 [tilespmem:s4], [sflag:$0x1], $0x1, v0, vm0, $0x4038;
	[tilespmem:$0x48] =	vst v63  }
0x90: {  	_ =	swait.ge @!p1 [sflag:s7], $0x10  }
0x91: {  	[sflag:s7] =	ssyncset.done @!p1 $0x0  }
0x92: {  	[sflag:s7] =	ssyncadd.s32 @!p1 $0xFFFFFFF0  }
0x93: {  	_ =	sfence.sel $0x180000  }
0x94: {  	[bflag:$0x0] =	sbarrier.arrive $0xFFFF  }
0x95: {  	[sflag:s5] =	ssyncpa.u1 $0x1  }
0x96: {  	[sflag:s3] =	ssyncpa.u1 $0x1  }
0x97: {  	_ =	sfence.stream.spmem  }
0x98: {  	s31 =	simm.s32 $0x3D;
	[bflag:$0x0] =	sbarrier.arrive $0xFFFF  }
0x99: {  	s3 =	simm.s32 @p0 $0x3D;
	[sflag:s31] =	ssyncpa.u1 $0x0  }
0x9a: {  	[sflag:s3] =	ssyncpa.u1 @p0 $0x1  }
0x9b: {  	[bflag:$0x0] =	sbarrier.arrive @p0 $0xFFFF  }
0x9c: {  	_ =	strace @p0 $0x90000053  }
0x9d: {  	s3 =	simm.s32 @!p0 $0x1C3D;
	[bflag:$0x2] =	sbarrier.arrive @p0 $0xFFFF  }
0x9e: {  	[hbm:s1], [sflag:s3] =	dma.local @!p0 [spmem:s2], $0x10  }
0x9f: {  	s1 =	simm.s32 @!p0 $0x3D  }
0xa0: {  	_ =	swait.ge @!p0 [sflag:s1], $0x10  }
0xa1: {  	[sflag:s1] =	ssyncset.done @!p0 $0x0  }
0xa2: {  	[sflag:s1] =	ssyncadd.s32 @!p0 $0xFFFFFFF0  }
0xa3: {  	[sflag:s1] =	ssyncpa.u1 @!p0 $0x1  }
0xa4: {  	[bflag:$0x0] =	sbarrier.arrive @!p0 $0xFFFF  }
0xa5: {  	_ =	strace @!p0 $0x90000053  }
0xa6: {  	s0 =	sadd.s32 @!p0 $0x100000, s0;
	[bflag:$0x2] =	sbarrier.arrive @!p0 $0xFFFF  }
0xa7: {  	[sflag:s0] =	ssyncadd.tile.s32 @!p0 $0x1;
	_ =	shalt  }
.LBB3_1:
.Ltmp7:
0xa8: {  	(pc) =	sbr.rel .LBB3_6-.Ltmp7, $2  }
0xa9: {  	_ =	sdelay $0x2  }
0xaa: {  	_ = 	snop  }
.LBB3_3:
.Ltmp8:
0xab: {  	(pc) =	sbr.rel .LBB3_6-.Ltmp8, $2  }
0xac: {  	_ =	sdelay $0x2  }
0xad: {  	s6 =	smov.u32 s14  }
.Lfunc_end3:
_tile_overlayer_lowered:
.L_overlay_start_3:
0xae: {  	(tag) =	ssettag $0x3  }
0xaf: {  	s0 =	rddreg [dreg:$0x0];
	s2 =	stileid.u32  }
0xb0: {  	s1 =	rddreg [dreg:$0x1];
	p0 =	sne.s32 s2, $0x0  }
0xb1: {  	s3 =	rddreg [dreg:$0x2];
	[bflag:$0x3] =	sbarrier.arrive $0xFFFF;
	s2 =	simm.s32 @!p0 $0x1C01  }
0xb2: {  	[timem:s3], [sflag:s2] =	dma.local @!p0 [hbm:s0], s1  }
0xb3: {  	s0 =	simm.s32 @!p0 $0x1  }
0xb4: {  	_ =	swait.ge @!p0 [sflag:s0], s1  }
0xb5: {  	s1 =	ssub.s32 @!p0 $0x0, s1;
	[sflag:s0] =	ssyncset.done @!p0 $0x0  }
0xb6: {  	[sflag:s0] =	ssyncadd.s32 @!p0 s1  }
0xb7: {  	[bflag:$0x3] =	sbarrier.arrive $0xFFFF  }
0xb8: {  	_ =	shalt  }

// kernel: scatter_offload_async_start.2
scs
__scs_entry_jumppad:
0x0: {  	(pc) =	sbr.rel $0x88, $3  }
0x1: {  	(tag) =	ssettag $0x0;
	lr =	simm.s32 $0x1  }
0x2: {  	[smem:$0x3F95] =	sst lr;
	_ =	strace $0xD0000000  }
0x3: {  	_ = 	snop  }
0x4: {  	_ = 	snop  }
0x5: {  	_ = 	snop  }
0x6: {  	_ = 	snop  }
0x7: {  	_ = 	snop  }
__scs_overlays_trampoline_lowered:
0x8: {  	[smem:$0x3FA4] =	sst s0  }
0x9: {  	[smem:$0x3FA5] =	sst s1  }
0xa: {  	[smem:$0x3FA6] =	sst s2  }
0xb: {  	[smem:$0x3FA7] =	sst s3  }
0xc: {  	[smem:$0x3FA8] =	sst s4  }
0xd: {  	[smem:$0x3FA9] =	sst s5  }
0xe: {  	[smem:$0x3FAA] =	sst s6  }
0xf: {  	[smem:$0x3FAB] =	sst s7  }
0x10: {  	[smem:$0x3FAC] =	sst s8  }
0x11: {  	[smem:$0x3FAD] =	sst s9;
	s0 =	simm.s32 @!p0 $0x0  }
0x12: {  	s1 =	sld [smem:$0x3F93];
	s0 =	simm.s32 @p0 $0x1  }
0x13: {  	[smem:$0x3FAE] =	sst s0;
	s0 =	simm.s32 @!p1 $0x0  }
0x14: {  	s2 =	sld [smem:$0x3F92];
	s0 =	simm.s32 @p1 $0x1  }
0x15: {  	[smem:$0x3FAF] =	sst s0;
	s0 =	simm.s32 @!p2 $0x0  }
0x16: {  	s3 =	sld [smem:$0x3FDB];
	s0 =	simm.s32 @p2 $0x1  }
0x17: {  	s4 =	simm.s32 $0x1BF5;
	[smem:$0x3FB1] =	sst s0  }
0x18: {  	s0 =	sld [smem:$0x3F94];
	_ =	swait.ge [sflag:s4], $0x0  }
0x19: {  	s7 =	sld [smem:$0x3F95]  }
0x1a: {  	s8 =	sadd.s32 $0xFFFFE003, lr  }
0x1b: {  	s9 =	sadd.s32 $0xFFFFFEF7, lr;
	s5 =	simm.s32 $0xFFFFFFFF;
	p2 =	slt.u32 s8, $0xFFFFF086  }
0x1c: {  	p1 =	slt.u32 s9, $0xF7A;
	s5 =	simm.s32 @!p2 $0x0  }
0x1d: {  	s5 =	simm.s32 @p1 $0x1;
	p0 =	seq.s32 s7, s2  }
0x1e: {  	s7 =	smul.u32 @!p0 $0xF7A, s2;
	p2 =	seq.s32 @!p0 s5, $0x0  }
0x1f: {  	s9 =	smul.u32 $0xF7A, s1;
	s8 =	simm.s32 @!p0 $0x1BF5;
	p2 =	por !p2, p0  }
0x20: {  	[sflag:s8] =	ssyncset.s32 @!p0 $0xFFFFF086;
	s6 =	sadd.s32 @!p0 s3, s7;
	s7 =	simm.s32 @!p0 $0x108  }
0x21: {  	s3 =	sadd.s32 s3, s9;
	s6 =	sadd.s32 @!p0 $0x88, s6;
	s7 =	simm.s32 @p2 $0x1082  }
0x22: {  	[simem:s7], [sflag:s8] =	dma.local @!p0 [hbm:s6], $0xF7A  }
0x23: {  	s9 =	sor.u32 $0xD0000000, s2;
	s6 =	simm.s32 $0x108;
	_ =	swait.ge @!p0 [sflag:s8], $0x0  }
0x24: {  	s3 =	sadd.s32 $0x88, s3;
	s6 =	simm.s32 @!p1 $0x1082;
	[sflag:s4] =	ssyncset.s32 $0xFFFFF086  }
0x25: {  	[simem:s6], [sflag:s4] =	dma.local [hbm:s3], $0xF7A  }
0x26: {  	[smem:$0x3F95] =	sst s1;
	(tag) =	ssettag s2;
	_ =	strace s9  }
0x27: {  	s1 =	sld [smem:$0x3FA5]  }
0x28: {  	s2 =	sld [smem:$0x3FA6]  }
0x29: {  	s4 =	sld [smem:$0x3FA8]  }
0x2a: {  	p0 =	seq.s32 s5, $0x0;
	s5 =	sld [smem:$0x3FA9]  }
0x2b: {  	s6 =	sld [smem:$0x3FAA]  }
0x2c: {  	s7 =	sld [smem:$0x3FAB]  }
0x2d: {  	s3 =	simm.s32 $0x108;
	s8 =	sld [smem:$0x3FAC]  }
0x2e: {  	s3 =	simm.s32 @!p0 $0x1082;
	s9 =	sld [smem:$0x3FAD]  }
0x2f: {  	lr =	sadd.s32 s0, s3;
	s0 =	sld [smem:$0x3FA4]  }
0x30: {  	s3 =	sld [smem:$0x3FA7]  }
0x31: {  	[smem:$0x3FB0] =	sst s10  }
0x32: {  	s10 =	sld [smem:$0x3FAE];
	_ =	sdelay $0x3  }
0x33: {  	p0 =	seq.s32 s10, $0x1;
	s10 =	sld [smem:$0x3FB0];
	_ =	sdelay $0x3  }
0x34: {  	[smem:$0x3FB0] =	sst s10  }
0x35: {  	s10 =	sld [smem:$0x3FAF];
	_ =	sdelay $0x3  }
0x36: {  	p1 =	seq.s32 s10, $0x1;
	s10 =	sld [smem:$0x3FB0];
	_ =	sdelay $0x3  }
0x37: {  	[smem:$0x3FB0] =	sst s10  }
0x38: {  	s10 =	sld [smem:$0x3FB1]  }
0x39: {  	_ = 	snop;
	(pc) =	sbr.ind lr, $3  }
0x3a: {  	_ = 	snop  }
0x3b: {  	_ = 	snop  }
0x3c: {  	p2 =	seq.s32 s10, $0x1;
	s10 =	sld [smem:$0x3FB0]  }
0x3d: {  	_ =	shalt  }
0x3e: {  	_ =	shalt  }
0x3f: {  	_ =	shalt  }
0x40: {  	_ =	shalt  }
0x41: {  	_ =	shalt  }
0x42: {  	_ =	shalt  }
0x43: {  	_ =	shalt  }
0x44: {  	_ =	shalt  }
0x45: {  	_ =	shalt  }
0x46: {  	_ =	shalt  }
0x47: {  	_ =	shalt  }
0x48: {  	_ =	shalt  }
0x49: {  	_ =	shalt  }
0x4a: {  	_ =	shalt  }
0x4b: {  	_ =	shalt  }
0x4c: {  	_ =	shalt  }
0x4d: {  	_ =	shalt  }
0x4e: {  	_ =	shalt  }
0x4f: {  	_ =	shalt  }
0x50: {  	_ =	shalt  }
0x51: {  	_ =	shalt  }
0x52: {  	_ =	shalt  }
0x53: {  	_ =	shalt  }
0x54: {  	_ =	shalt  }
0x55: {  	_ =	shalt  }
0x56: {  	_ =	shalt  }
0x57: {  	_ =	shalt  }
0x58: {  	_ =	shalt  }
0x59: {  	_ =	shalt  }
0x5a: {  	_ =	shalt  }
0x5b: {  	_ =	shalt  }
0x5c: {  	_ =	shalt  }
0x5d: {  	_ =	shalt  }
0x5e: {  	_ =	shalt  }
0x5f: {  	_ =	shalt  }
0x60: {  	_ =	shalt  }
0x61: {  	_ =	shalt  }
0x62: {  	_ =	shalt  }
0x63: {  	_ =	shalt  }
0x64: {  	_ =	shalt  }
0x65: {  	_ =	shalt  }
0x66: {  	_ =	shalt  }
0x67: {  	_ =	shalt  }
0x68: {  	_ =	shalt  }
0x69: {  	_ =	shalt  }
0x6a: {  	_ =	shalt  }
0x6b: {  	_ =	shalt  }
0x6c: {  	_ =	shalt  }
0x6d: {  	_ =	shalt  }
0x6e: {  	_ =	shalt  }
0x6f: {  	_ =	shalt  }
0x70: {  	_ =	shalt  }
0x71: {  	_ =	shalt  }
0x72: {  	_ =	shalt  }
0x73: {  	_ =	shalt  }
0x74: {  	_ =	shalt  }
0x75: {  	_ =	shalt  }
0x76: {  	_ =	shalt  }
0x77: {  	_ =	shalt  }
0x78: {  	_ =	shalt  }
0x79: {  	_ =	shalt  }
0x7a: {  	_ =	shalt  }
0x7b: {  	_ =	shalt  }
0x7c: {  	_ =	shalt  }
0x7d: {  	_ =	shalt  }
0x7e: {  	_ =	shalt  }
0x7f: {  	_ =	shalt  }
0x80: {  	_ =	shalt  }
0x81: {  	_ =	shalt  }
0x82: {  	_ =	shalt  }
0x83: {  	_ =	shalt  }
0x84: {  	_ =	shalt  }
0x85: {  	_ =	shalt  }
0x86: {  	_ =	shalt  }
0x87: {  	_ =	shalt  }
.Lfunc_end0:
.L_simem_size_0:
called_computation.2_lowered:
.L_overlay_start_0:
0x88: {  	s0 =	sld [smem:$0x3FD9]  }
0x89: {  	s1 =	sld [smem:$0x3FFE];
	_ =	sdelay $0x3  }
0x8a: {  	s0 =	sadd.s32 s1, s0  }
0x8b: {  	[smem:$0x3FBC] =	sst s0  }
0x8c: {  	_ = 	snop  }
0x8d: {  	s14 =	sld [smem:$0x3FD0];
	(tm) =	ssettm $0x1  }
0x8e: {  	s15 =	sld [smem:$0x3FFB];
	_ =	sdelay $0x3  }
0x8f: {  	_ =	strace s15  }
0x90: {  	s0 =	sld [smem:$0x3FFC];
	_ =	sdelay $0x3  }
0x91: {  	_ =	strace s0  }
0x92: {  	s0 =	sld [smem:$0x3FFD];
	_ =	sdelay $0x3  }
0x93: {  	_ =	strace s0  }
0x94: {  	_ =	strace $0x8FFFFFFF  }
0x95: {  	s16 =	sld [smem:$0x3FDB];
	_ =	sdelay $0x1  }
0x96: {  	s2 =	simm.s32 $_scs_section_size  }
0x97: {  	s3 =	simm.s32 $_size__tile_overlayer_lowered;
	s4 =	simm.s32 $_tile_overlayer_lowered  }
0x98: {  	s5 =	simm.s32 $0x1BFF;
	s17 =	sshll.u32 s4, $0x1;
	s2 =	sadd.s32 s2, s16  }
0x99: {  	s18 =	simm.s32 $0x0;
	s3 =	sshll.u32 s3, $0x1;
	s4 =	sadd.s32 s17, s2  }
0x9a: {  	[timem:s18], [sflag:s5] =	dma.local [hbm:s4], s3  }
0x9b: {  	_ =	swait.ge [sflag:s5], s3  }
0x9c: {  	s3 =	ssub.s32 $0x0, s3;
	[sflag:s5] =	ssyncset.done $0x0  }
0x9d: {  	[sflag:s5] =	ssyncadd.s32 s3;
	_ =	sdelay $0x1  }
0x9e: {  	s19 =	simm.s32 $0x1B8B  }
0x9f: {  	_ =	swait.ge [sflag:s19], $0x1  }
0xa0: {  	[sflag:s19] =	ssyncset.done $0x0  }
0xa1: {  	s21 =	simm.s32 $0x1B8E;
	s20 =	sld [smem:$0x3FFE];
	[sflag:s19] =	ssyncadd.s32 $0xFFFFFFFF  }
0xa2: {  	s22 =	simm.s32 $execute0_lowered;
	[smem:$0x3FD2] =	sst s21  }
0xa3: {  	s4 =	sshll.u32 s22, $0x1;
	_ =	strace $0x80000055;
	[dreg:$0x1] =	wrdreg $0xFFFFFFFF  }
0xa4: {  	s23 =	simm.s32 $_size_execute0_lowered;
	s4 =	sadd.s32 s2, s4;
	[dreg:$0x0] =	wrdreg $0x0  }
0xa5: {  	s5 =	sshll.u32 s23, $0x1;
	[dreg:$0x2] =	wrdreg s4  }
0xa6: {  	[dreg:$0x3] =	wrdreg s5  }
0xa7: {  	[dreg:$0x4] =	wrdreg $0xC0  }
0xa8: {  	s24 =	simm.s32 $execute1_lowered;
	_ =	task [dreg:s18], $0x5FFFF  }
0xa9: {  	s4 =	sshll.u32 s24, $0x1;
	[dreg:$0x1] =	wrdreg $0xFFFFFFFF  }
0xaa: {  	s2 =	sadd.s32 s2, s4;
	[dreg:$0x0] =	wrdreg $0x60  }
0xab: {  	[dreg:$0x2] =	wrdreg s2  }
0xac: {  	[dreg:$0x3] =	wrdreg s14  }
0xad: {  	[dreg:$0x4] =	wrdreg s20  }
0xae: {  	[dreg:$0x5] =	wrdreg $0x9  }
0xaf: {  	_ =	task.clear_ibuf [dreg:s18], $0x6FFFF;
	_ =	strace $0x90000055  }
0xb0: {  	s25 =	simm.s32 $0x9;
	_ =	strace $0x80000057  }
0xb1: {  	_ =	swait.ge [sflag:s25], $0x1  }
0xb2: {  	[sflag:s25] =	ssyncadd.s32 $0xFFFFFFFF  }
0xb3: {  	_ =	strace $0x90000057  }
0xb4: {  	_ =	strace $0x80000058;
	[dreg:$0x1] =	wrdreg $0xFFFFFFFF  }
0xb5: {  	[dreg:$0x0] =	wrdreg $0x2030  }
0xb6: {  	[dreg:$0x2] =	wrdreg s20  }
0xb7: {  	[dreg:$0x3] =	wrdreg $0xA  }
0xb8: {  	_ =	task.clear_ibuf [dreg:s18], $0x4FFFF;
	_ =	strace $0x90000058  }
0xb9: {  	s26 =	simm.s32 $0xA;
	_ =	strace $0x8000005A  }
0xba: {  	_ =	swait.ge [sflag:s26], $0x1  }
0xbb: {  	[sflag:s26] =	ssyncadd.s32 $0xFFFFFFFF  }
0xbc: {  	_ =	strace $0x9000005A  }
0xbd: {  	_ =	sfence  }
0xbe: {  	s28 =	sld [smem:$0x0];
	_ =	sdelay $0x1  }
0xbf: {  	s29 =	srdreg.scid  }
0xc0: {  	s30 =	sshll.u32 s29, $0xD;
	s31 =	sshrl.u32 s29, $0x2  }
0xc1: {  	s3 =	sand.u32 $0x4000, s30;
	s2 =	sand.u32 $0x1, s29;
	s1 =	sadd.s32 s31, s28  }
0xc2: {  	s2 =	sor.u32 s3, s2;
	s1 =	sshll.u32 s1, $0x11  }
0xc3: {  	s1 =	sor.u32 s1, s2  }
0xc4: {  	s1 =	sadd.s32 $0x8F2B, s1  }
0xc5: {  	[sflag:s1] =	ssyncadd.remote.s32 $0x1  }
0xc6: {  	_ =	sfence.sel $0xFFFF  }
0xc7: {  	[dreg:$0x0] =	wrdreg $0xFFFFFFFF;
	(pc) =	sbr.abs _section_cstart, $3  }
0xc8: {  	[dreg:$0x1] =	wrdreg $0xFFFFFFFF  }
0xc9: {  	_ =	task.clear_ibuf [dreg:s18], $0x2FFFF;
	_ =	strace $0x9FFFFFFF  }
0xca: {  	(tm) =	ssettm $0x7FFFFFFF  }
0xcb: {  	_ =	shalt  }
tec
execute0_lowered:
.L_overlay_start_1:
0x0: {  	(tag) =	ssettag $0x1  }
0x1: {  	s3 =	rddreg [dreg:$0x0]  }
0x2: {  	s6 =	rddreg [dreg:$0x1]  }
0x3: {  	s5 =	rddreg [dreg:$0x2]  }
0x4: {  	s0 =	rddreg [dreg:$0x3];
	s2 =	stileid.u32;
	s1 =	simm.s32 $_size_execute1_lowered  }
0x5: {  	[bflag:$0x3] =	sbarrier.arrive $0xFFFF;
	p0 =	sne.s32 s2, $0x0;
	s1 =	sshll.u32 s1, $0x1  }
0x6: {  	s31 =	sshll.u32 s2, $0x3;
	s4 =	simm.s32 @!p0 $0x1C3F;
	s7 =	simm.s32 @!p0 $0x4060  }
0x7: {  	[timem:s7], [sflag:s4] =	dma.local @!p0 [hbm:s3], s1  }
0x8: {  	s7 =	ssub.s32 $0x8, s31  }
0x9: {  	p1 =	sgt.s32 s7, $0x0  }
0xa: {  	s7 =	simm.s32 @!p1 $0x0  }
0xb: {  	s7 =	sand.u32 $0x78, s7  }
0xc: {  	s10 =	simm.s32 $0x3;
	p1 =	sne.s32 s7, $0x0  }
0xd: {  	s10 =	simm.s32 @!p1 $0x2  }
0xe: {  	p3 =	sne.s32 s10, $0x1  }
.Ltmp0:
0xf: {  	s9 =	simm.s32 $0x0;
	s8 =	simm.s32 $0x1;
	(pc) =	sbr.rel @!p3 .LBB2_1-.Ltmp0, $4  }
0x10: {  	s13 =	simm.s32 $0xFFFFFFFF;
	s5 =	sadd.s32 $0x6D9400, s5;
	s6 =	sadd.s32 s2, s6  }
0x11: {  	s3 =	simm.s32 $0x1;
	_ =	strace $0x80000056;
	s7 =	simm.s32 $0x1  }
0x12: {  	s4 =	simm.s32 $0x2;
	[sflag:s3] =	ssyncpa.u1 $0x0;
	s7 =	simm.s32 @!p1 $0x0  }
0x13: {  	[sflag:s4] =	ssyncpa.u1 $0x0;
	p1 =	por $0x0, $0x0;
	p2 =	sle.u32 s7, $0x0  }
0x14: {  	p1 =	sle.u32 s7, $0xFFFFFFFF  }
0x15: {  	s11 =	simm.s32 @!p2 $0x8;
	s12 =	simm.s32 @!p2 $0x0;
	s13 =	simm.s32 @!p1 $0x1  }
0x16: {  	[tilespmem:s11], [sflag:$0x1] =	stream.linear.gather @!p2 [hbm4b:s6+s12], $0x8, $0x38;
	[tilespmem:$0x20] =	vst v63  }
0x17: {  	_ =	swait.ge @!p1 [sflag:s13], $0x8  }
0x18: {  	[sflag:s13] =	ssyncset.done @!p1 $0x0  }
0x19: {  	s9 =	sand.u32 @!p1 $0x8, s9;
	[sflag:s13] =	ssyncadd.s32 @!p1 $0xFFFFFFF8  }
0x1a: {  	v0 =	vld.msk @!p1 [tilespmem:s9+$0x0], $0xff;
	_ =	sdelay $0x2  }
0x1b: {  	p4 =	sne.s32 s10, $0x2  }
.Ltmp1:
0x1c: {  	p3 =	por $0x1, $0x1;
	s9 =	sor.u32 @!p1 $0x10, s9;
	(pc) =	sbr.rel @!p4 .LBB2_4-.Ltmp1, $4  }
0x1d: {  	s11 =	simm.s32 $0x2;
	s12 =	sadd.s32 @!p1 s5, s2;
	s13 =	simm.s32 @!p1 $0x0;
	[tilespmem:s9+$0x0] =	vst.msk @!p1 $0xff, v0  }
0x1e: {  	[hbm4b:s12+s13] =	stream.linear.scatter @!p1 [tilespmem:s9], [sflag:$0x2], $0x8, $0x38;
	[tilespmem:$0x20] =	vst v63  }
0x1f: {  	p2 =	sle.u32 s7, $0x1;
	s12 =	simm.s32 @!p3 $0x2;
	s9 =	simm.s32 $0x8  }
0x20: {  	s13 =	simm.s32 $0x0;
	p1 =	por $0x1, $0x1;
	_ =	swait.ge @!p3 [sflag:s12], $0x8  }
.LBB2_3:
0x21: {  	s14 =	simm.s32 @!p2 $0x8;
	p4 =	sge.u32 s13, s7;
	[sflag:s12] =	ssyncset.done @!p3 $0x0  }
0x22: {  	s13 =	simm.s32 @!p2 $0x0;
	s15 =	simm.s32 @!p4 $0x1;
	[sflag:s12] =	ssyncadd.s32 @!p3 $0xFFFFFFF8  }
0x23: {  	[tilespmem:s14], [sflag:$0x1] =	stream.linear.gather @!p2 [hbm4b:s6+s13], $0x8, $0x38;
	[tilespmem:$0x20] =	vst v63  }
0x24: {  	s13 =	smov.u32 s11;
	s11 =	sadd.s32 $0x1, s11;
	_ =	swait.ge @!p4 [sflag:s15], $0x8  }
0x25: {  	s12 =	sand.u32 @!p4 $0x8, s9;
	p5 =	sne.s32 s11, s10;
	[sflag:s15] =	ssyncset.done @!p4 $0x0  }
0x26: {  	[sflag:s15] =	ssyncadd.s32 @!p4 $0xFFFFFFF8  }
0x27: {  	v0 =	vld.msk @!p4 [tilespmem:s12+$0x0], $0xff;
	_ =	sdelay $0x2  }
.Ltmp2:
0x28: {  	s14 =	sor.u32 @!p4 $0x10, s12;
	(pc) =	sbr.rel @p5 .LBB2_3-.Ltmp2, $4  }
0x29: {  	s16 =	simm.s32 @!p4 $0x0;
	p3 =	slt.u32 s8, $0x2;
	s15 =	sadd.s32 @!p4 s5, s2  }
0x2a: {  	s9 =	sadd.s32 $0x8, s9;
	s8 =	smov.u32 s13;
	s12 =	simm.s32 @!p3 $0x2;
	[tilespmem:s14+$0x0] =	vst.msk @!p4 $0xff, v0  }
0x2b: {  	[hbm4b:s15+s16] =	stream.linear.scatter @!p4 [tilespmem:s14], [sflag:$0x2], $0x8, $0x38;
	[tilespmem:$0x20] =	vst v63  }
0x2c: {  	p2 =	sge.u32 s8, s7;
	s13 =	sadd.s32 $0xFFFFFFFF, s8;
	_ =	swait.ge @!p3 [sflag:s12], $0x8  }
.LBB2_4:
0x2d: {  	p3 =	por p3, !p1  }
0x2e: {  	s10 =	simm.s32 @!p2 $0x8;
	p1 =	sge.u32 s13, s7;
	[sflag:s12] =	ssyncset.done @!p3 $0x0  }
0x2f: {  	s7 =	simm.s32 @!p2 $0x0;
	s11 =	simm.s32 @!p1 $0x1;
	[sflag:s12] =	ssyncadd.s32 @!p3 $0xFFFFFFF8  }
0x30: {  	[tilespmem:s10], [sflag:$0x1] =	stream.linear.gather @!p2 [hbm4b:s6+s7], $0x8, $0x38;
	[tilespmem:$0x20] =	vst v63  }
0x31: {  	_ =	swait.ge @!p1 [sflag:s11], $0x8  }
0x32: {  	[sflag:s11] =	ssyncset.done @!p1 $0x0  }
0x33: {  	s6 =	sand.u32 @!p1 $0x8, s9;
	[sflag:s11] =	ssyncadd.s32 @!p1 $0xFFFFFFF8  }
0x34: {  	v0 =	vld.msk @!p1 [tilespmem:s6+$0x0], $0xff;
	_ =	sdelay $0x3  }
0x35: {  	p2 =	slt.u32 s8, $0x2;
	s6 =	sor.u32 @!p1 $0x10, s6  }
0x36: {  	s2 =	sadd.s32 @!p1 s5, s2;
	s5 =	simm.s32 @!p1 $0x0;
	s7 =	simm.s32 @!p2 $0x2;
	[tilespmem:s6+$0x0] =	vst.msk @!p1 $0xff, v0  }
0x37: {  	[hbm4b:s2+s5] =	stream.linear.scatter @!p1 [tilespmem:s6], [sflag:$0x2], $0x8, $0x38;
	[tilespmem:$0x20] =	vst v63  }
0x38: {  	_ =	swait.ge @!p2 [sflag:s7], $0x8  }
0x39: {  	[sflag:s7] =	ssyncset.done @!p2 $0x0  }
0x3a: {  	[sflag:s7] =	ssyncadd.s32 @!p2 $0xFFFFFFF8  }
0x3b: {  	_ =	sfence.sel $0x180000  }
0x3c: {  	[bflag:$0x0] =	sbarrier.arrive $0xFFFF  }
0x3d: {  	[sflag:s3] =	ssyncpa.u1 $0x1  }
0x3e: {  	[sflag:s4] =	ssyncpa.u1 $0x1  }
0x3f: {  	_ =	strace $0x90000056  }
0x40: {  	s0 =	sadd.s32 @!p0 $0x100000, s0;
	[bflag:$0x2] =	sbarrier.arrive $0xFFFF  }
0x41: {  	[sflag:s0] =	ssyncadd.tile.s32 @!p0 $0x1;
	s0 =	simm.s32 @!p0 $0x3F  }
0x42: {  	_ =	swait.ge @!p0 [sflag:s0], s1  }
0x43: {  	s1 =	ssub.s32 @!p0 $0x0, s1;
	[sflag:s0] =	ssyncset.done @!p0 $0x0  }
0x44: {  	[sflag:s0] =	ssyncadd.s32 @!p0 s1  }
0x45: {  	[bflag:$0x3] =	sbarrier.arrive $0xFFFF  }
0x46: {  	_ =	shalt  }
.LBB2_1:
.Ltmp3:
0x47: {  	(pc) =	sbr.rel .LBB2_4-.Ltmp3, $2  }
0x48: {  	_ =	sdelay $0x2  }
0x49: {  	s8 =	simm.s32 $0x0  }
.Lfunc_end2:
execute1_lowered:
.L_overlay_start_2:
0x4a: {  	(tag) =	ssettag $0x2  }
0x4b: {  	s4 =	rddreg [dreg:$0x0]  }
0x4c: {  	s0 =	rddreg [dreg:$0x1];
	_ =	strace $0x80000059;
	s3 =	stileid.u32  }
0x4d: {  	s5 =	simm.s32 $0x3E;
	s1 =	sadd.s32 $0x6D9400, s4;
	p0 =	sne.s32 s3, $0x0  }
0x4e: {  	[sflag:s5] =	ssyncpa.u1 $0x0;
	s31 =	smin.u32 s3, $0x8;
	p1 =	slt.u32 s3, $0x8  }
0x4f: {  	s3 =	simm.s32 $0x10;
	s6 =	simm.s32 @!p0 $0x1C3E;
	s2 =	simm.s32 @!p0 $0x0  }
0x50: {  	[spmem:s2], [sflag:s6] =	dma.local @!p0 [hbm:s1], $0x10  }
0x51: {  	s3 =	simm.s32 @!p1 $0x0;
	s6 =	sshll.u32 s31, $0x4  }
0x52: {  	s3 =	sadd.s32 s3, s6  }
0x53: {  	s9 =	smin.u32 s3, $0x80  }
0x54: {  	s8 =	ssub.s32 s9, s6  }
0x55: {  	p1 =	sgt.s32 s8, $0x0  }
0x56: {  	s7 =	simm.s32 @!p0 $0x3E;
	s8 =	simm.s32 @!p1 $0x0  }
0x57: {  	_ =	swait.ge @!p0 [sflag:s7], $0x10;
	s10 =	sshrl.u32 s8, $0x4  }
0x58: {  	[sflag:s7] =	ssyncset.done @!p0 $0x0;
	s11 =	sadd.s32 $0x1, s10  }
0x59: {  	[sflag:s7] =	ssyncadd.s32 @!p0 $0xFFFFFFF0;
	p1 =	sne.s32 s11, $0x1  }
.Ltmp4:
0x5a: {  	p3 =	por $0x0, $0x0;
	[bflag:$0x0] =	sbarrier.arrive $0xFFFF;
	(pc) =	sbr.rel @!p1 .LBB3_1-.Ltmp4, $4  }
0x5b: {  	s3 =	simm.s32 $0x1;
	s7 =	sadd.s32 $0x200, s4;
	[sflag:s5] =	ssyncpa.u1 $0x1  }
0x5c: {  	s5 =	simm.s32 $0x2;
	s8 =	simm.s32 $0x0;
	p2 =	sle.u32 s10, $0x0  }
0x5d: {  	[sflag:s3] =	ssyncpa.u1 $0x0;
	(ifvalue) =	ssetifvalue $0x80;
	s12 =	sxor.u32 @!p2 $0xFFFFFFFF, s8  }
0x5e: {  	[sflag:s5] =	ssyncpa.u1 $0x0;
	s15 =	sshrl.u32 @!p2 s6, $0x3;
	s16 =	sand.u32 @!p2 $0x10, s12  }
0x5f: {  	s12 =	sadd.s32 @!p2 s4, s15  }
0x60: {  	s13 =	sor.u32 @!p2 $0x8, s16;
	s14 =	sand.u32 @!p2 $0x7, s6;
	p1 =	por $0x1, $0x1  }
0x61: {  	[tilespmem:s13], [sflag:$0x2] =	stream.linear.gather @!p2 [hbm4b:s12+s14], $0x10, $0x38;
	[tilespmem:$0x48] =	vst v63  }
0x62: {  	s15 =	sadd.s32 @!p2 s7, s15;
	s12 =	sor.u32 @!p2 $0x28, s16;
	s13 =	simm.s32 @!p1 $0x2  }
0x63: {  	[tilespmem:s12], [sflag:$0x2] =	stream.linear.gather @!p2 [hbm4b:s15+s14], $0x10, $0x38;
	[tilespmem:$0x48] =	vst v63  }
0x64: {  	_ =	swait.ge @!p1 [sflag:s13], $0x20  }
0x65: {  	s8 =	sand.u32 @!p1 $0x10, s8;
	[sflag:s13] =	ssyncset.done @!p1 $0x0  }
0x66: {  	s12 =	sor.u32 @!p1 $0x8, s8;
	[sflag:s13] =	ssyncadd.s32 @!p1 $0xFFFFFFE0  }
0x67: {  	v0 =	vld.msk @!p1 [tilespmem:s12+$0x0 ss:$0x1], $0xffff;
	_ =	sdelay $0x3  }
0x68: {  	p4 =	sne.s32 s11, $0x2  }
.Ltmp5:
0x69: {  	s18 =	simm.s32 @!p1 $0x0;
	s17 =	simm.s32 @!p1 $0x1;
	v0 =	vmin.u32 @!p1 v0, $0x80;
	(pc) =	sbr.rel @!p4 .LBB3_3-.Ltmp5, $4  }
0x6a: {  	s15 =	sadd.s32 $0x10, s6;
	p2 =	sle.u32 s10, $0x1;
	s14 =	smov.u32 s6  }
0x6b: {  	p3 =	slt.s32 s15, s9;
	s13 =	sor.u32 @!p1 $0x28, s8;
	s8 =	simm.s32 $0x10  }
0x6c: {  	s14 =	smov.u32 @p3 s15;
	p3 =	por $0x1, $0x1;
	s16 =	sxor.u32 @!p2 $0xFFFFFFFF, s8  }
0x6d: {  	vm0 =	vmmov @!p1 $0xffff;
	s15 =	sshrl.u32 @!p2 s14, $0x3;
	s12 =	simm.s32 $0x2;
	s16 =	sand.u32 @!p2 $0x10, s16  }
.LBB3_4:
0x6e: {  	[spmem:s18] =	stream.indirect_vreg.scatter.add.s32 @!p1 [tilespmem:s13], [sflag:$0x1], $0x1, v0, vm0, $0x4038;
	[tilespmem:$0x48] =	vst v63  }
0x6f: {  	s13 =	sadd.s32 @!p2 s4, s15;
	s18 =	sor.u32 @!p2 $0x8, s16;
	_ =	swait.ge @!p1 [sflag:s17], $0x10  }
0x70: {  	s19 =	smov.u32 s12;
	s12 =	sadd.s32 $0x1, s12;
	[sflag:s17] =	ssyncset.done @!p1 $0x0  }
0x71: {  	s20 =	sand.u32 @!p2 $0x7, s14;
	[sflag:s17] =	ssyncadd.s32 @!p1 $0xFFFFFFF0;
	p1 =	seq.s32 s8, $0x0  }
0x72: {  	[tilespmem:s18], [sflag:$0x2] =	stream.linear.gather @!p2 [hbm4b:s13+s20], $0x10, $0x38;
	[tilespmem:$0x48] =	vst v63  }
0x73: {  	s16 =	sor.u32 @!p2 $0x28, s16;
	s17 =	simm.s32 @!p1 $0x2;
	s13 =	sand.u32 @!p1 $0x10, s8  }
0x74: {  	s15 =	sadd.s32 @!p2 s7, s15;
	s18 =	sor.u32 @!p1 $0x8, s13;
	s13 =	sor.u32 @!p1 $0x28, s13  }
0x75: {  	[tilespmem:s16], [sflag:$0x2] =	stream.linear.gather @!p2 [hbm4b:s15+s20], $0x10, $0x38;
	[tilespmem:$0x48] =	vst v63  }
0x76: {  	p4 =	sne.s32 s11, s12;
	_ =	swait.ge @!p1 [sflag:s17], $0x20  }
0x77: {  	[sflag:s17] =	ssyncset.done @!p1 $0x0  }
0x78: {  	[sflag:s17] =	ssyncadd.s32 @!p1 $0xFFFFFFE0  }
0x79: {  	v0 =	vld.msk @!p1 [tilespmem:s18+$0x0 ss:$0x1], $0xffff;
	_ =	sdelay $0x5  }
.Ltmp6:
0x7a: {  	s8 =	sadd.s32 $0x10, s8;
	v0 =	vmin.u32 @!p1 v0, $0x80;
	(pc) =	sbr.rel @p4 .LBB3_4-.Ltmp6, $4  }
0x7b: {  	vm0 =	vmmov @!p1 $0xffff;
	s15 =	sadd.s32 $0x10, s14;
	p2 =	sge.u32 s19, s10;
	s18 =	simm.s32 @!p1 $0x0  }
0x7c: {  	s14 =	smov.u32 s6;
	p5 =	slt.s32 s15, s9;
	s17 =	simm.s32 @!p1 $0x1  }
0x7d: {  	s16 =	sxor.u32 @!p2 $0xFFFFFFFF, s8;
	s14 =	smov.u32 @p5 s15  }
0x7e: {  	s16 =	sand.u32 @!p2 $0x10, s16;
	s15 =	sshrl.u32 @!p2 s14, $0x3  }
0x7f: {  	s6 =	smov.u32 s14  }
.LBB3_6:
0x80: {  	_ =	sdelay $0x2  }
0x81: {  	p3 =	por p1, !p3  }
0x82: {  	[spmem:s18] =	stream.indirect_vreg.scatter.add.s32 @!p3 [tilespmem:s13], [sflag:$0x1], $0x1, v0, vm0, $0x4038;
	[tilespmem:$0x48] =	vst v63  }
0x83: {  	_ =	swait.ge @!p3 [sflag:s17], $0x10  }
0x84: {  	s4 =	sadd.s32 @!p2 s4, s15;
	s9 =	sor.u32 @!p2 $0x8, s16;
	[sflag:s17] =	ssyncset.done @!p3 $0x0  }
0x85: {  	s6 =	sand.u32 @!p2 $0x7, s6;
	p1 =	seq.s32 s8, $0x0;
	[sflag:s17] =	ssyncadd.s32 @!p3 $0xFFFFFFF0  }
0x86: {  	[tilespmem:s9], [sflag:$0x2] =	stream.linear.gather @!p2 [hbm4b:s4+s6], $0x10, $0x38;
	[tilespmem:$0x48] =	vst v63  }
0x87: {  	s7 =	sadd.s32 @!p2 s7, s15;
	s4 =	sor.u32 @!p2 $0x28, s16;
	s9 =	simm.s32 @!p1 $0x2  }
0x88: {  	[tilespmem:s4], [sflag:$0x2] =	stream.linear.gather @!p2 [hbm4b:s7+s6], $0x10, $0x38;
	[tilespmem:$0x48] =	vst v63  }
0x89: {  	_ =	swait.ge @!p1 [sflag:s9], $0x20  }
0x8a: {  	s4 =	sand.u32 @!p1 $0x10, s8;
	[sflag:s9] =	ssyncset.done @!p1 $0x0  }
0x8b: {  	s6 =	sor.u32 @!p1 $0x8, s4;
	[sflag:s9] =	ssyncadd.s32 @!p1 $0xFFFFFFE0  }
0x8c: {  	v0 =	vld.msk @!p1 [tilespmem:s6+$0x0 ss:$0x1], $0xffff;
	_ =	sdelay $0x4  }
0x8d: {  	v0 =	vmin.u32 @!p1 v0, $0x80;
	_ =	sdelay $0x3  }
0x8e: {  	vm0 =	vmmov @!p1 $0xffff;
	s7 =	simm.s32 @!p1 $0x1;
	s4 =	sor.u32 @!p1 $0x28, s4;
	s6 =	simm.s32 @!p1 $0x0  }
0x8f: {  	[spmem:s6] =	stream.indirect_vreg.scatter.add.s32 @!p1 [tilespmem:s4], [sflag:$0x1], $0x1, v0, vm0, $0x4038;
	[tilespmem:$0x48] =	vst v63  }
0x90: {  	_ =	swait.ge @!p1 [sflag:s7], $0x10  }
0x91: {  	[sflag:s7] =	ssyncset.done @!p1 $0x0  }
0x92: {  	[sflag:s7] =	ssyncadd.s32 @!p1 $0xFFFFFFF0  }
0x93: {  	_ =	sfence.sel $0x180000  }
0x94: {  	[bflag:$0x0] =	sbarrier.arrive $0xFFFF  }
0x95: {  	[sflag:s5] =	ssyncpa.u1 $0x1  }
0x96: {  	[sflag:s3] =	ssyncpa.u1 $0x1  }
0x97: {  	_ =	sfence.stream.spmem  }
0x98: {  	s31 =	simm.s32 $0x3D;
	[bflag:$0x0] =	sbarrier.arrive $0xFFFF  }
0x99: {  	s3 =	simm.s32 @p0 $0x3D;
	[sflag:s31] =	ssyncpa.u1 $0x0  }
0x9a: {  	[sflag:s3] =	ssyncpa.u1 @p0 $0x1  }
0x9b: {  	[bflag:$0x0] =	sbarrier.arrive @p0 $0xFFFF  }
0x9c: {  	_ =	strace @p0 $0x90000059  }
0x9d: {  	s3 =	simm.s32 @!p0 $0x1C3D;
	[bflag:$0x2] =	sbarrier.arrive @p0 $0xFFFF  }
0x9e: {  	[hbm:s1], [sflag:s3] =	dma.local @!p0 [spmem:s2], $0x10  }
0x9f: {  	s1 =	simm.s32 @!p0 $0x3D  }
0xa0: {  	_ =	swait.ge @!p0 [sflag:s1], $0x10  }
0xa1: {  	[sflag:s1] =	ssyncset.done @!p0 $0x0  }
0xa2: {  	[sflag:s1] =	ssyncadd.s32 @!p0 $0xFFFFFFF0  }
0xa3: {  	[sflag:s1] =	ssyncpa.u1 @!p0 $0x1  }
0xa4: {  	[bflag:$0x0] =	sbarrier.arrive @!p0 $0xFFFF  }
0xa5: {  	_ =	strace @!p0 $0x90000059  }
0xa6: {  	s0 =	sadd.s32 @!p0 $0x100000, s0;
	[bflag:$0x2] =	sbarrier.arrive @!p0 $0xFFFF  }
0xa7: {  	[sflag:s0] =	ssyncadd.tile.s32 @!p0 $0x1;
	_ =	shalt  }
.LBB3_1:
.Ltmp7:
0xa8: {  	(pc) =	sbr.rel .LBB3_6-.Ltmp7, $2  }
0xa9: {  	_ =	sdelay $0x2  }
0xaa: {  	_ = 	snop  }
.LBB3_3:
.Ltmp8:
0xab: {  	(pc) =	sbr.rel .LBB3_6-.Ltmp8, $2  }
0xac: {  	_ =	sdelay $0x2  }
0xad: {  	s6 =	smov.u32 s14  }
.Lfunc_end3:
_tile_overlayer_lowered:
.L_overlay_start_3:
0xae: {  	(tag) =	ssettag $0x3  }
0xaf: {  	s0 =	rddreg [dreg:$0x0];
	s2 =	stileid.u32  }
0xb0: {  	s1 =	rddreg [dreg:$0x1];
	p0 =	sne.s32 s2, $0x0  }
0xb1: {  	s3 =	rddreg [dreg:$0x2];
	[bflag:$0x3] =	sbarrier.arrive $0xFFFF;
	s2 =	simm.s32 @!p0 $0x1C01  }
0xb2: {  	[timem:s3], [sflag:s2] =	dma.local @!p0 [hbm:s0], s1  }
0xb3: {  	s0 =	simm.s32 @!p0 $0x1  }
0xb4: {  	_ =	swait.ge @!p0 [sflag:s0], s1  }
0xb5: {  	s1 =	ssub.s32 @!p0 $0x0, s1;
	[sflag:s0] =	ssyncset.done @!p0 $0x0  }
0xb6: {  	[sflag:s0] =	ssyncadd.s32 @!p0 s1  }
0xb7: {  	[bflag:$0x3] =	sbarrier.arrive $0xFFFF  }
0xb8: {  	_ =	shalt  }

// kernel: scatter_offload_async_start.3
scs
__scs_entry_jumppad:
0x0: {  	(pc) =	sbr.rel $0x88, $3  }
0x1: {  	(tag) =	ssettag $0x0;
	lr =	simm.s32 $0x1  }
0x2: {  	[smem:$0x3F95] =	sst lr;
	_ =	strace $0xD0000000  }
0x3: {  	_ = 	snop  }
0x4: {  	_ = 	snop  }
0x5: {  	_ = 	snop  }
0x6: {  	_ = 	snop  }
0x7: {  	_ = 	snop  }
__scs_overlays_trampoline_lowered:
0x8: {  	[smem:$0x3FA4] =	sst s0  }
0x9: {  	[smem:$0x3FA5] =	sst s1  }
0xa: {  	[smem:$0x3FA6] =	sst s2  }
0xb: {  	[smem:$0x3FA7] =	sst s3  }
0xc: {  	[smem:$0x3FA8] =	sst s4  }
0xd: {  	[smem:$0x3FA9] =	sst s5  }
0xe: {  	[smem:$0x3FAA] =	sst s6  }
0xf: {  	[smem:$0x3FAB] =	sst s7  }
0x10: {  	[smem:$0x3FAC] =	sst s8  }
0x11: {  	[smem:$0x3FAD] =	sst s9;
	s0 =	simm.s32 @!p0 $0x0  }
0x12: {  	s1 =	sld [smem:$0x3F93];
	s0 =	simm.s32 @p0 $0x1  }
0x13: {  	[smem:$0x3FAE] =	sst s0;
	s0 =	simm.s32 @!p1 $0x0  }
0x14: {  	s2 =	sld [smem:$0x3F92];
	s0 =	simm.s32 @p1 $0x1  }
0x15: {  	[smem:$0x3FAF] =	sst s0;
	s0 =	simm.s32 @!p2 $0x0  }
0x16: {  	s3 =	sld [smem:$0x3FDB];
	s0 =	simm.s32 @p2 $0x1  }
0x17: {  	s4 =	simm.s32 $0x1BF5;
	[smem:$0x3FB1] =	sst s0  }
0x18: {  	s0 =	sld [smem:$0x3F94];
	_ =	swait.ge [sflag:s4], $0x0  }
0x19: {  	s7 =	sld [smem:$0x3F95]  }
0x1a: {  	s8 =	sadd.s32 $0xFFFFE003, lr  }
0x1b: {  	s9 =	sadd.s32 $0xFFFFFEF7, lr;
	s5 =	simm.s32 $0xFFFFFFFF;
	p2 =	slt.u32 s8, $0xFFFFF086  }
0x1c: {  	p1 =	slt.u32 s9, $0xF7A;
	s5 =	simm.s32 @!p2 $0x0  }
0x1d: {  	s5 =	simm.s32 @p1 $0x1;
	p0 =	seq.s32 s7, s2  }
0x1e: {  	s7 =	smul.u32 @!p0 $0xF7A, s2;
	p2 =	seq.s32 @!p0 s5, $0x0  }
0x1f: {  	s9 =	smul.u32 $0xF7A, s1;
	s8 =	simm.s32 @!p0 $0x1BF5;
	p2 =	por !p2, p0  }
0x20: {  	[sflag:s8] =	ssyncset.s32 @!p0 $0xFFFFF086;
	s6 =	sadd.s32 @!p0 s3, s7;
	s7 =	simm.s32 @!p0 $0x108  }
0x21: {  	s3 =	sadd.s32 s3, s9;
	s6 =	sadd.s32 @!p0 $0x88, s6;
	s7 =	simm.s32 @p2 $0x1082  }
0x22: {  	[simem:s7], [sflag:s8] =	dma.local @!p0 [hbm:s6], $0xF7A  }
0x23: {  	s9 =	sor.u32 $0xD0000000, s2;
	s6 =	simm.s32 $0x108;
	_ =	swait.ge @!p0 [sflag:s8], $0x0  }
0x24: {  	s3 =	sadd.s32 $0x88, s3;
	s6 =	simm.s32 @!p1 $0x1082;
	[sflag:s4] =	ssyncset.s32 $0xFFFFF086  }
0x25: {  	[simem:s6], [sflag:s4] =	dma.local [hbm:s3], $0xF7A  }
0x26: {  	[smem:$0x3F95] =	sst s1;
	(tag) =	ssettag s2;
	_ =	strace s9  }
0x27: {  	s1 =	sld [smem:$0x3FA5]  }
0x28: {  	s2 =	sld [smem:$0x3FA6]  }
0x29: {  	s4 =	sld [smem:$0x3FA8]  }
0x2a: {  	p0 =	seq.s32 s5, $0x0;
	s5 =	sld [smem:$0x3FA9]  }
0x2b: {  	s6 =	sld [smem:$0x3FAA]  }
0x2c: {  	s7 =	sld [smem:$0x3FAB]  }
0x2d: {  	s3 =	simm.s32 $0x108;
	s8 =	sld [smem:$0x3FAC]  }
0x2e: {  	s3 =	simm.s32 @!p0 $0x1082;
	s9 =	sld [smem:$0x3FAD]  }
0x2f: {  	lr =	sadd.s32 s0, s3;
	s0 =	sld [smem:$0x3FA4]  }
0x30: {  	s3 =	sld [smem:$0x3FA7]  }
0x31: {  	[smem:$0x3FB0] =	sst s10  }
0x32: {  	s10 =	sld [smem:$0x3FAE];
	_ =	sdelay $0x3  }
0x33: {  	p0 =	seq.s32 s10, $0x1;
	s10 =	sld [smem:$0x3FB0];
	_ =	sdelay $0x3  }
0x34: {  	[smem:$0x3FB0] =	sst s10  }
0x35: {  	s10 =	sld [smem:$0x3FAF];
	_ =	sdelay $0x3  }
0x36: {  	p1 =	seq.s32 s10, $0x1;
	s10 =	sld [smem:$0x3FB0];
	_ =	sdelay $0x3  }
0x37: {  	[smem:$0x3FB0] =	sst s10  }
0x38: {  	s10 =	sld [smem:$0x3FB1]  }
0x39: {  	_ = 	snop;
	(pc) =	sbr.ind lr, $3  }
0x3a: {  	_ = 	snop  }
0x3b: {  	_ = 	snop  }
0x3c: {  	p2 =	seq.s32 s10, $0x1;
	s10 =	sld [smem:$0x3FB0]  }
0x3d: {  	_ =	shalt  }
0x3e: {  	_ =	shalt  }
0x3f: {  	_ =	shalt  }
0x40: {  	_ =	shalt  }
0x41: {  	_ =	shalt  }
0x42: {  	_ =	shalt  }
0x43: {  	_ =	shalt  }
0x44: {  	_ =	shalt  }
0x45: {  	_ =	shalt  }
0x46: {  	_ =	shalt  }
0x47: {  	_ =	shalt  }
0x48: {  	_ =	shalt  }
0x49: {  	_ =	shalt  }
0x4a: {  	_ =	shalt  }
0x4b: {  	_ =	shalt  }
0x4c: {  	_ =	shalt  }
0x4d: {  	_ =	shalt  }
0x4e: {  	_ =	shalt  }
0x4f: {  	_ =	shalt  }
0x50: {  	_ =	shalt  }
0x51: {  	_ =	shalt  }
0x52: {  	_ =	shalt  }
0x53: {  	_ =	shalt  }
0x54: {  	_ =	shalt  }
0x55: {  	_ =	shalt  }
0x56: {  	_ =	shalt  }
0x57: {  	_ =	shalt  }
0x58: {  	_ =	shalt  }
0x59: {  	_ =	shalt  }
0x5a: {  	_ =	shalt  }
0x5b: {  	_ =	shalt  }
0x5c: {  	_ =	shalt  }
0x5d: {  	_ =	shalt  }
0x5e: {  	_ =	shalt  }
0x5f: {  	_ =	shalt  }
0x60: {  	_ =	shalt  }
0x61: {  	_ =	shalt  }
0x62: {  	_ =	shalt  }
0x63: {  	_ =	shalt  }
0x64: {  	_ =	shalt  }
0x65: {  	_ =	shalt  }
0x66: {  	_ =	shalt  }
0x67: {  	_ =	shalt  }
0x68: {  	_ =	shalt  }
0x69: {  	_ =	shalt  }
0x6a: {  	_ =	shalt  }
0x6b: {  	_ =	shalt  }
0x6c: {  	_ =	shalt  }
0x6d: {  	_ =	shalt  }
0x6e: {  	_ =	shalt  }
0x6f: {  	_ =	shalt  }
0x70: {  	_ =	shalt  }
0x71: {  	_ =	shalt  }
0x72: {  	_ =	shalt  }
0x73: {  	_ =	shalt  }
0x74: {  	_ =	shalt  }
0x75: {  	_ =	shalt  }
0x76: {  	_ =	shalt  }
0x77: {  	_ =	shalt  }
0x78: {  	_ =	shalt  }
0x79: {  	_ =	shalt  }
0x7a: {  	_ =	shalt  }
0x7b: {  	_ =	shalt  }
0x7c: {  	_ =	shalt  }
0x7d: {  	_ =	shalt  }
0x7e: {  	_ =	shalt  }
0x7f: {  	_ =	shalt  }
0x80: {  	_ =	shalt  }
0x81: {  	_ =	shalt  }
0x82: {  	_ =	shalt  }
0x83: {  	_ =	shalt  }
0x84: {  	_ =	shalt  }
0x85: {  	_ =	shalt  }
0x86: {  	_ =	shalt  }
0x87: {  	_ =	shalt  }
.Lfunc_end0:
.L_simem_size_0:
called_computation.3_lowered:
.L_overlay_start_0:
0x88: {  	s0 =	sld [smem:$0x3FD9]  }
0x89: {  	s1 =	sld [smem:$0x3FFE];
	_ =	sdelay $0x3  }
0x8a: {  	s0 =	sadd.s32 s1, s0  }
0x8b: {  	[smem:$0x3FBC] =	sst s0  }
0x8c: {  	_ = 	snop  }
0x8d: {  	s0 =	sld [smem:$0x3FD0];
	(tm) =	ssettm $0x1  }
0x8e: {  	s16 =	sld [smem:$0x3FFB];
	_ =	sdelay $0x3  }
0x8f: {  	_ =	strace s16  }
0x90: {  	s1 =	sld [smem:$0x3FFC];
	_ =	sdelay $0x3  }
0x91: {  	_ =	strace s1  }
0x92: {  	s1 =	sld [smem:$0x3FFD];
	_ =	sdelay $0x3  }
0x93: {  	_ =	strace s1  }
0x94: {  	_ =	strace $0x8FFFFFFF  }
0x95: {  	s17 =	sld [smem:$0x3FDB];
	_ =	sdelay $0x1  }
0x96: {  	s2 =	simm.s32 $_scs_section_size  }
0x97: {  	s3 =	simm.s32 $_size__tile_overlayer_lowered;
	s4 =	simm.s32 $_tile_overlayer_lowered  }
0x98: {  	s20 =	simm.s32 $0x1BFF;
	s19 =	sshll.u32 s4, $0x1;
	s1 =	sadd.s32 s2, s17  }
0x99: {  	s5 =	simm.s32 $0x0;
	s18 =	sshll.u32 s3, $0x1;
	s3 =	sadd.s32 s19, s1  }
0x9a: {  	[timem:s5], [sflag:s20] =	dma.local [hbm:s3], s18  }
0x9b: {  	_ =	swait.ge [sflag:s20], s18  }
0x9c: {  	s2 =	ssub.s32 $0x0, s18;
	[sflag:s20] =	ssyncset.done $0x0  }
0x9d: {  	[sflag:s20] =	ssyncadd.s32 s2;
	_ =	sdelay $0x1  }
0x9e: {  	s21 =	simm.s32 $0x1B8B  }
0x9f: {  	_ =	swait.ge [sflag:s21], $0x1  }
0xa0: {  	[sflag:s21] =	ssyncset.done $0x0  }
0xa1: {  	s23 =	simm.s32 $0x1B8E;
	s22 =	sld [smem:$0x3FFE];
	[sflag:s21] =	ssyncadd.s32 $0xFFFFFFFF  }
0xa2: {  	s24 =	simm.s32 $execute0_lowered;
	[smem:$0x3FD2] =	sst s23  }
0xa3: {  	s3 =	sshll.u32 s24, $0x1;
	_ =	strace $0x8000005B;
	[dreg:$0x1] =	wrdreg $0xFFFFFFFF  }
0xa4: {  	s25 =	simm.s32 $_size_execute0_lowered;
	s1 =	sadd.s32 s1, s3;
	[dreg:$0x0] =	wrdreg $0x0  }
0xa5: {  	s3 =	sshll.u32 s25, $0x1;
	[dreg:$0x2] =	wrdreg s1  }
0xa6: {  	[dreg:$0x3] =	wrdreg s3  }
0xa7: {  	[dreg:$0x4] =	wrdreg $0xC0  }
0xa8: {  	_ =	task [dreg:s5], $0x5FFFF  }
0xa9: {  	[dreg:$0x1] =	wrdreg $0xFFFFFFFF  }
0xaa: {  	[dreg:$0x0] =	wrdreg $0x60  }
0xab: {  	[dreg:$0x2] =	wrdreg s0  }
0xac: {  	[dreg:$0x3] =	wrdreg s22  }
0xad: {  	[dreg:$0x4] =	wrdreg $0x9  }
0xae: {  	_ =	task.clear_ibuf [dreg:s5], $0x5FFFF;
	_ =	strace $0x9000005B  }
0xaf: {  	s26 =	simm.s32 $0x9;
	_ =	strace $0x8000005D  }
0xb0: {  	_ =	swait.ge [sflag:s26], $0x1  }
0xb1: {  	[sflag:s26] =	ssyncadd.s32 $0xFFFFFFFF  }
0xb2: {  	_ =	strace $0x9000005D  }
0xb3: {  	_ =	sfence  }
0xb4: {  	s28 =	sld [smem:$0x0];
	_ =	sdelay $0x1  }
0xb5: {  	s29 =	srdreg.scid  }
0xb6: {  	s30 =	sshll.u32 s29, $0xD;
	s31 =	sshrl.u32 s29, $0x2  }
0xb7: {  	s2 =	sand.u32 $0x4000, s30;
	s1 =	sand.u32 $0x1, s29;
	s0 =	sadd.s32 s31, s28  }
0xb8: {  	s1 =	sor.u32 s2, s1;
	s0 =	sshll.u32 s0, $0x11  }
0xb9: {  	s0 =	sor.u32 s0, s1  }
0xba: {  	s0 =	sadd.s32 $0x8F2B, s0  }
0xbb: {  	[sflag:s0] =	ssyncadd.remote.s32 $0x1  }
0xbc: {  	_ =	sfence.sel $0xFFFF  }
0xbd: {  	[dreg:$0x0] =	wrdreg $0xFFFFFFFF;
	(pc) =	sbr.abs _section_cstart, $3  }
0xbe: {  	[dreg:$0x1] =	wrdreg $0xFFFFFFFF  }
0xbf: {  	_ =	task.clear_ibuf [dreg:s5], $0x2FFFF;
	_ =	strace $0x9FFFFFFF  }
0xc0: {  	(tm) =	ssettm $0x7FFFFFFF  }
0xc1: {  	_ =	shalt  }
tec
execute0_lowered:
.L_overlay_start_1:
0x0: {  	(tag) =	ssettag $0x1  }
0x1: {  	s1 =	rddreg [dreg:$0x0]  }
0x2: {  	s4 =	rddreg [dreg:$0x1]  }
0x3: {  	s0 =	rddreg [dreg:$0x2];
	s3 =	stileid.u32  }
0x4: {  	_ =	strace $0x8000005C;
	s5 =	simm.s32 $0x3E;
	p0 =	sne.s32 s3, $0x0  }
0x5: {  	[sflag:s5] =	ssyncpa.u1 $0x0;
	s31 =	smin.u32 s3, $0x8;
	p1 =	slt.u32 s3, $0x8  }
0x6: {  	s3 =	simm.s32 $0x10;
	s6 =	simm.s32 @!p0 $0x1C3E;
	s2 =	simm.s32 @!p0 $0x0  }
0x7: {  	[spmem:s2], [sflag:s6] =	dma.local @!p0 [hbm:s1], $0x10  }
0x8: {  	s3 =	simm.s32 @!p1 $0x0;
	s6 =	sshll.u32 s31, $0x4  }
0x9: {  	s3 =	sadd.s32 s3, s6  }
0xa: {  	s9 =	smin.u32 s3, $0x80  }
0xb: {  	s8 =	ssub.s32 s9, s6  }
0xc: {  	p1 =	sgt.s32 s8, $0x0  }
0xd: {  	s7 =	simm.s32 @!p0 $0x3E;
	s8 =	simm.s32 @!p1 $0x0  }
0xe: {  	_ =	swait.ge @!p0 [sflag:s7], $0x10;
	s10 =	sshrl.u32 s8, $0x4  }
0xf: {  	[sflag:s7] =	ssyncset.done @!p0 $0x0;
	s11 =	sadd.s32 $0x1, s10  }
0x10: {  	[sflag:s7] =	ssyncadd.s32 @!p0 $0xFFFFFFF0;
	p1 =	sne.s32 s11, $0x1  }
.Ltmp0:
0x11: {  	p3 =	por $0x0, $0x0;
	[bflag:$0x0] =	sbarrier.arrive $0xFFFF;
	(pc) =	sbr.rel @!p1 .LBB2_1-.Ltmp0, $4  }
0x12: {  	s3 =	simm.s32 $0x1;
	s7 =	sadd.s32 $0x200, s4;
	[sflag:s5] =	ssyncpa.u1 $0x1  }
0x13: {  	s5 =	simm.s32 $0x2;
	s8 =	simm.s32 $0x0;
	p2 =	sle.u32 s10, $0x0  }
0x14: {  	[sflag:s3] =	ssyncpa.u1 $0x0;
	(ifvalue) =	ssetifvalue $0x80;
	s12 =	sxor.u32 @!p2 $0xFFFFFFFF, s8  }
0x15: {  	[sflag:s5] =	ssyncpa.u1 $0x0;
	s15 =	sshrl.u32 @!p2 s6, $0x3;
	s16 =	sand.u32 @!p2 $0x10, s12  }
0x16: {  	s12 =	sadd.s32 @!p2 s4, s15  }
0x17: {  	s13 =	sor.u32 @!p2 $0x8, s16;
	s14 =	sand.u32 @!p2 $0x7, s6;
	p1 =	por $0x1, $0x1  }
0x18: {  	[tilespmem:s13], [sflag:$0x2] =	stream.linear.gather @!p2 [hbm4b:s12+s14], $0x10, $0x38;
	[tilespmem:$0x48] =	vst v63  }
0x19: {  	s15 =	sadd.s32 @!p2 s7, s15;
	s12 =	sor.u32 @!p2 $0x28, s16;
	s13 =	simm.s32 @!p1 $0x2  }
0x1a: {  	[tilespmem:s12], [sflag:$0x2] =	stream.linear.gather @!p2 [hbm4b:s15+s14], $0x10, $0x38;
	[tilespmem:$0x48] =	vst v63  }
0x1b: {  	_ =	swait.ge @!p1 [sflag:s13], $0x20  }
0x1c: {  	s8 =	sand.u32 @!p1 $0x10, s8;
	[sflag:s13] =	ssyncset.done @!p1 $0x0  }
0x1d: {  	s12 =	sor.u32 @!p1 $0x8, s8;
	[sflag:s13] =	ssyncadd.s32 @!p1 $0xFFFFFFE0  }
0x1e: {  	v0 =	vld.msk @!p1 [tilespmem:s12+$0x0 ss:$0x1], $0xffff;
	_ =	sdelay $0x3  }
0x1f: {  	p4 =	sne.s32 s11, $0x2  }
.Ltmp1:
0x20: {  	s18 =	simm.s32 @!p1 $0x0;
	s17 =	simm.s32 @!p1 $0x1;
	v0 =	vmin.u32 @!p1 v0, $0x80;
	(pc) =	sbr.rel @!p4 .LBB2_3-.Ltmp1, $4  }
0x21: {  	s15 =	sadd.s32 $0x10, s6;
	p2 =	sle.u32 s10, $0x1;
	s14 =	smov.u32 s6  }
0x22: {  	p3 =	slt.s32 s15, s9;
	s13 =	sor.u32 @!p1 $0x28, s8;
	s8 =	simm.s32 $0x10  }
0x23: {  	s14 =	smov.u32 @p3 s15;
	p3 =	por $0x1, $0x1;
	s16 =	sxor.u32 @!p2 $0xFFFFFFFF, s8  }
0x24: {  	vm0 =	vmmov @!p1 $0xffff;
	s15 =	sshrl.u32 @!p2 s14, $0x3;
	s12 =	simm.s32 $0x2;
	s16 =	sand.u32 @!p2 $0x10, s16  }
.LBB2_4:
0x25: {  	[spmem:s18] =	stream.indirect_vreg.scatter.add.s32 @!p1 [tilespmem:s13], [sflag:$0x1], $0x1, v0, vm0, $0x4038;
	[tilespmem:$0x48] =	vst v63  }
0x26: {  	s13 =	sadd.s32 @!p2 s4, s15;
	s18 =	sor.u32 @!p2 $0x8, s16;
	_ =	swait.ge @!p1 [sflag:s17], $0x10  }
0x27: {  	s19 =	smov.u32 s12;
	s12 =	sadd.s32 $0x1, s12;
	[sflag:s17] =	ssyncset.done @!p1 $0x0  }
0x28: {  	s20 =	sand.u32 @!p2 $0x7, s14;
	[sflag:s17] =	ssyncadd.s32 @!p1 $0xFFFFFFF0;
	p1 =	seq.s32 s8, $0x0  }
0x29: {  	[tilespmem:s18], [sflag:$0x2] =	stream.linear.gather @!p2 [hbm4b:s13+s20], $0x10, $0x38;
	[tilespmem:$0x48] =	vst v63  }
0x2a: {  	s16 =	sor.u32 @!p2 $0x28, s16;
	s17 =	simm.s32 @!p1 $0x2;
	s13 =	sand.u32 @!p1 $0x10, s8  }
0x2b: {  	s15 =	sadd.s32 @!p2 s7, s15;
	s18 =	sor.u32 @!p1 $0x8, s13;
	s13 =	sor.u32 @!p1 $0x28, s13  }
0x2c: {  	[tilespmem:s16], [sflag:$0x2] =	stream.linear.gather @!p2 [hbm4b:s15+s20], $0x10, $0x38;
	[tilespmem:$0x48] =	vst v63  }
0x2d: {  	p4 =	sne.s32 s11, s12;
	_ =	swait.ge @!p1 [sflag:s17], $0x20  }
0x2e: {  	[sflag:s17] =	ssyncset.done @!p1 $0x0  }
0x2f: {  	[sflag:s17] =	ssyncadd.s32 @!p1 $0xFFFFFFE0  }
0x30: {  	v0 =	vld.msk @!p1 [tilespmem:s18+$0x0 ss:$0x1], $0xffff;
	_ =	sdelay $0x5  }
.Ltmp2:
0x31: {  	s8 =	sadd.s32 $0x10, s8;
	v0 =	vmin.u32 @!p1 v0, $0x80;
	(pc) =	sbr.rel @p4 .LBB2_4-.Ltmp2, $4  }
0x32: {  	vm0 =	vmmov @!p1 $0xffff;
	s15 =	sadd.s32 $0x10, s14;
	p2 =	sge.u32 s19, s10;
	s18 =	simm.s32 @!p1 $0x0  }
0x33: {  	s14 =	smov.u32 s6;
	p5 =	slt.s32 s15, s9;
	s17 =	simm.s32 @!p1 $0x1  }
0x34: {  	s16 =	sxor.u32 @!p2 $0xFFFFFFFF, s8;
	s14 =	smov.u32 @p5 s15  }
0x35: {  	s16 =	sand.u32 @!p2 $0x10, s16;
	s15 =	sshrl.u32 @!p2 s14, $0x3  }
0x36: {  	s6 =	smov.u32 s14  }
.LBB2_6:
0x37: {  	_ =	sdelay $0x2  }
0x38: {  	p3 =	por p1, !p3  }
0x39: {  	[spmem:s18] =	stream.indirect_vreg.scatter.add.s32 @!p3 [tilespmem:s13], [sflag:$0x1], $0x1, v0, vm0, $0x4038;
	[tilespmem:$0x48] =	vst v63  }
0x3a: {  	_ =	swait.ge @!p3 [sflag:s17], $0x10  }
0x3b: {  	s4 =	sadd.s32 @!p2 s4, s15;
	s9 =	sor.u32 @!p2 $0x8, s16;
	[sflag:s17] =	ssyncset.done @!p3 $0x0  }
0x3c: {  	s6 =	sand.u32 @!p2 $0x7, s6;
	p1 =	seq.s32 s8, $0x0;
	[sflag:s17] =	ssyncadd.s32 @!p3 $0xFFFFFFF0  }
0x3d: {  	[tilespmem:s9], [sflag:$0x2] =	stream.linear.gather @!p2 [hbm4b:s4+s6], $0x10, $0x38;
	[tilespmem:$0x48] =	vst v63  }
0x3e: {  	s7 =	sadd.s32 @!p2 s7, s15;
	s4 =	sor.u32 @!p2 $0x28, s16;
	s9 =	simm.s32 @!p1 $0x2  }
0x3f: {  	[tilespmem:s4], [sflag:$0x2] =	stream.linear.gather @!p2 [hbm4b:s7+s6], $0x10, $0x38;
	[tilespmem:$0x48] =	vst v63  }
0x40: {  	_ =	swait.ge @!p1 [sflag:s9], $0x20  }
0x41: {  	s4 =	sand.u32 @!p1 $0x10, s8;
	[sflag:s9] =	ssyncset.done @!p1 $0x0  }
0x42: {  	s6 =	sor.u32 @!p1 $0x8, s4;
	[sflag:s9] =	ssyncadd.s32 @!p1 $0xFFFFFFE0  }
0x43: {  	v0 =	vld.msk @!p1 [tilespmem:s6+$0x0 ss:$0x1], $0xffff;
	_ =	sdelay $0x4  }
0x44: {  	v0 =	vmin.u32 @!p1 v0, $0x80;
	_ =	sdelay $0x3  }
0x45: {  	vm0 =	vmmov @!p1 $0xffff;
	s7 =	simm.s32 @!p1 $0x1;
	s4 =	sor.u32 @!p1 $0x28, s4;
	s6 =	simm.s32 @!p1 $0x0  }
0x46: {  	[spmem:s6] =	stream.indirect_vreg.scatter.add.s32 @!p1 [tilespmem:s4], [sflag:$0x1], $0x1, v0, vm0, $0x4038;
	[tilespmem:$0x48] =	vst v63  }
0x47: {  	_ =	swait.ge @!p1 [sflag:s7], $0x10  }
0x48: {  	[sflag:s7] =	ssyncset.done @!p1 $0x0  }
0x49: {  	[sflag:s7] =	ssyncadd.s32 @!p1 $0xFFFFFFF0  }
0x4a: {  	_ =	sfence.sel $0x180000  }
0x4b: {  	[bflag:$0x0] =	sbarrier.arrive $0xFFFF  }
0x4c: {  	[sflag:s5] =	ssyncpa.u1 $0x1  }
0x4d: {  	[sflag:s3] =	ssyncpa.u1 $0x1  }
0x4e: {  	_ =	sfence.stream.spmem  }
0x4f: {  	s31 =	simm.s32 $0x3D;
	[bflag:$0x0] =	sbarrier.arrive $0xFFFF  }
0x50: {  	s3 =	simm.s32 @p0 $0x3D;
	[sflag:s31] =	ssyncpa.u1 $0x0  }
0x51: {  	[sflag:s3] =	ssyncpa.u1 @p0 $0x1  }
0x52: {  	[bflag:$0x0] =	sbarrier.arrive @p0 $0xFFFF  }
0x53: {  	_ =	strace @p0 $0x9000005C  }
0x54: {  	s3 =	simm.s32 @!p0 $0x1C3D;
	[bflag:$0x2] =	sbarrier.arrive @p0 $0xFFFF  }
0x55: {  	[hbm:s1], [sflag:s3] =	dma.local @!p0 [spmem:s2], $0x10  }
0x56: {  	s1 =	simm.s32 @!p0 $0x3D  }
0x57: {  	_ =	swait.ge @!p0 [sflag:s1], $0x10  }
0x58: {  	[sflag:s1] =	ssyncset.done @!p0 $0x0  }
0x59: {  	[sflag:s1] =	ssyncadd.s32 @!p0 $0xFFFFFFF0  }
0x5a: {  	[sflag:s1] =	ssyncpa.u1 @!p0 $0x1  }
0x5b: {  	[bflag:$0x0] =	sbarrier.arrive @!p0 $0xFFFF  }
0x5c: {  	_ =	strace @!p0 $0x9000005C  }
0x5d: {  	s0 =	sadd.s32 @!p0 $0x100000, s0;
	[bflag:$0x2] =	sbarrier.arrive @!p0 $0xFFFF  }
0x5e: {  	[sflag:s0] =	ssyncadd.tile.s32 @!p0 $0x1;
	_ =	shalt  }
.LBB2_1:
.Ltmp3:
0x5f: {  	(pc) =	sbr.rel .LBB2_6-.Ltmp3, $2  }
0x60: {  	_ =	sdelay $0x2  }
0x61: {  	_ = 	snop  }
.LBB2_3:
.Ltmp4:
0x62: {  	(pc) =	sbr.rel .LBB2_6-.Ltmp4, $2  }
0x63: {  	_ =	sdelay $0x2  }
0x64: {  	s6 =	smov.u32 s14  }
.Lfunc_end2:
_tile_overlayer_lowered:
.L_overlay_start_2:
0x65: {  	(tag) =	ssettag $0x2  }
0x66: {  	s0 =	rddreg [dreg:$0x0];
	s2 =	stileid.u32  }
0x67: {  	s1 =	rddreg [dreg:$0x1];
	p0 =	sne.s32 s2, $0x0  }
0x68: {  	s3 =	rddreg [dreg:$0x2];
	[bflag:$0x3] =	sbarrier.arrive $0xFFFF;
	s2 =	simm.s32 @!p0 $0x1C01  }
0x69: {  	[timem:s3], [sflag:s2] =	dma.local @!p0 [hbm:s0], s1  }
0x6a: {  	s0 =	simm.s32 @!p0 $0x1  }
0x6b: {  	_ =	swait.ge @!p0 [sflag:s0], s1  }
0x6c: {  	s1 =	ssub.s32 @!p0 $0x0, s1;
	[sflag:s0] =	ssyncset.done @!p0 $0x0  }
0x6d: {  	[sflag:s0] =	ssyncadd.s32 @!p0 s1  }
0x6e: {  	[bflag:$0x3] =	sbarrier.arrive $0xFFFF  }
0x6f: {  	_ =	shalt  }

// kernel: scatter_offload_async_start
scs
__scs_entry_jumppad:
0x0: {  	(pc) =	sbr.rel $0x88, $3  }
0x1: {  	(tag) =	ssettag $0x0;
	lr =	simm.s32 $0x1  }
0x2: {  	[smem:$0x3F95] =	sst lr;
	_ =	strace $0xD0000000  }
0x3: {  	_ = 	snop  }
0x4: {  	_ = 	snop  }
0x5: {  	_ = 	snop  }
0x6: {  	_ = 	snop  }
0x7: {  	_ = 	snop  }
__scs_overlays_trampoline_lowered:
0x8: {  	[smem:$0x3FA4] =	sst s0  }
0x9: {  	[smem:$0x3FA5] =	sst s1  }
0xa: {  	[smem:$0x3FA6] =	sst s2  }
0xb: {  	[smem:$0x3FA7] =	sst s3  }
0xc: {  	[smem:$0x3FA8] =	sst s4  }
0xd: {  	[smem:$0x3FA9] =	sst s5  }
0xe: {  	[smem:$0x3FAA] =	sst s6  }
0xf: {  	[smem:$0x3FAB] =	sst s7  }
0x10: {  	[smem:$0x3FAC] =	sst s8  }
0x11: {  	[smem:$0x3FAD] =	sst s9;
	s0 =	simm.s32 @!p0 $0x0  }
0x12: {  	s1 =	sld [smem:$0x3F93];
	s0 =	simm.s32 @p0 $0x1  }
0x13: {  	[smem:$0x3FAE] =	sst s0;
	s0 =	simm.s32 @!p1 $0x0  }
0x14: {  	s2 =	sld [smem:$0x3F92];
	s0 =	simm.s32 @p1 $0x1  }
0x15: {  	[smem:$0x3FAF] =	sst s0;
	s0 =	simm.s32 @!p2 $0x0  }
0x16: {  	s3 =	sld [smem:$0x3FDB];
	s0 =	simm.s32 @p2 $0x1  }
0x17: {  	s4 =	simm.s32 $0x1BF5;
	[smem:$0x3FB1] =	sst s0  }
0x18: {  	s0 =	sld [smem:$0x3F94];
	_ =	swait.ge [sflag:s4], $0x0  }
0x19: {  	s7 =	sld [smem:$0x3F95]  }
0x1a: {  	s8 =	sadd.s32 $0xFFFFE003, lr  }
0x1b: {  	s9 =	sadd.s32 $0xFFFFFEF7, lr;
	s5 =	simm.s32 $0xFFFFFFFF;
	p2 =	slt.u32 s8, $0xFFFFF086  }
0x1c: {  	p1 =	slt.u32 s9, $0xF7A;
	s5 =	simm.s32 @!p2 $0x0  }
0x1d: {  	s5 =	simm.s32 @p1 $0x1;
	p0 =	seq.s32 s7, s2  }
0x1e: {  	s7 =	smul.u32 @!p0 $0xF7A, s2;
	p2 =	seq.s32 @!p0 s5, $0x0  }
0x1f: {  	s9 =	smul.u32 $0xF7A, s1;
	s8 =	simm.s32 @!p0 $0x1BF5;
	p2 =	por !p2, p0  }
0x20: {  	[sflag:s8] =	ssyncset.s32 @!p0 $0xFFFFF086;
	s6 =	sadd.s32 @!p0 s3, s7;
	s7 =	simm.s32 @!p0 $0x108  }
0x21: {  	s3 =	sadd.s32 s3, s9;
	s6 =	sadd.s32 @!p0 $0x88, s6;
	s7 =	simm.s32 @p2 $0x1082  }
0x22: {  	[simem:s7], [sflag:s8] =	dma.local @!p0 [hbm:s6], $0xF7A  }
0x23: {  	s9 =	sor.u32 $0xD0000000, s2;
	s6 =	simm.s32 $0x108;
	_ =	swait.ge @!p0 [sflag:s8], $0x0  }
0x24: {  	s3 =	sadd.s32 $0x88, s3;
	s6 =	simm.s32 @!p1 $0x1082;
	[sflag:s4] =	ssyncset.s32 $0xFFFFF086  }
0x25: {  	[simem:s6], [sflag:s4] =	dma.local [hbm:s3], $0xF7A  }
0x26: {  	[smem:$0x3F95] =	sst s1;
	(tag) =	ssettag s2;
	_ =	strace s9  }
0x27: {  	s1 =	sld [smem:$0x3FA5]  }
0x28: {  	s2 =	sld [smem:$0x3FA6]  }
0x29: {  	s4 =	sld [smem:$0x3FA8]  }
0x2a: {  	p0 =	seq.s32 s5, $0x0;
	s5 =	sld [smem:$0x3FA9]  }
0x2b: {  	s6 =	sld [smem:$0x3FAA]  }
0x2c: {  	s7 =	sld [smem:$0x3FAB]  }
0x2d: {  	s3 =	simm.s32 $0x108;
	s8 =	sld [smem:$0x3FAC]  }
0x2e: {  	s3 =	simm.s32 @!p0 $0x1082;
	s9 =	sld [smem:$0x3FAD]  }
0x2f: {  	lr =	sadd.s32 s0, s3;
	s0 =	sld [smem:$0x3FA4]  }
0x30: {  	s3 =	sld [smem:$0x3FA7]  }
0x31: {  	[smem:$0x3FB0] =	sst s10  }
0x32: {  	s10 =	sld [smem:$0x3FAE];
	_ =	sdelay $0x3  }
0x33: {  	p0 =	seq.s32 s10, $0x1;
	s10 =	sld [smem:$0x3FB0];
	_ =	sdelay $0x3  }
0x34: {  	[smem:$0x3FB0] =	sst s10  }
0x35: {  	s10 =	sld [smem:$0x3FAF];
	_ =	sdelay $0x3  }
0x36: {  	p1 =	seq.s32 s10, $0x1;
	s10 =	sld [smem:$0x3FB0];
	_ =	sdelay $0x3  }
0x37: {  	[smem:$0x3FB0] =	sst s10  }
0x38: {  	s10 =	sld [smem:$0x3FB1]  }
0x39: {  	_ = 	snop;
	(pc) =	sbr.ind lr, $3  }
0x3a: {  	_ = 	snop  }
0x3b: {  	_ = 	snop  }
0x3c: {  	p2 =	seq.s32 s10, $0x1;
	s10 =	sld [smem:$0x3FB0]  }
0x3d: {  	_ =	shalt  }
0x3e: {  	_ =	shalt  }
0x3f: {  	_ =	shalt  }
0x40: {  	_ =	shalt  }
0x41: {  	_ =	shalt  }
0x42: {  	_ =	shalt  }
0x43: {  	_ =	shalt  }
0x44: {  	_ =	shalt  }
0x45: {  	_ =	shalt  }
0x46: {  	_ =	shalt  }
0x47: {  	_ =	shalt  }
0x48: {  	_ =	shalt  }
0x49: {  	_ =	shalt  }
0x4a: {  	_ =	shalt  }
0x4b: {  	_ =	shalt  }
0x4c: {  	_ =	shalt  }
0x4d: {  	_ =	shalt  }
0x4e: {  	_ =	shalt  }
0x4f: {  	_ =	shalt  }
0x50: {  	_ =	shalt  }
0x51: {  	_ =	shalt  }
0x52: {  	_ =	shalt  }
0x53: {  	_ =	shalt  }
0x54: {  	_ =	shalt  }
0x55: {  	_ =	shalt  }
0x56: {  	_ =	shalt  }
0x57: {  	_ =	shalt  }
0x58: {  	_ =	shalt  }
0x59: {  	_ =	shalt  }
0x5a: {  	_ =	shalt  }
0x5b: {  	_ =	shalt  }
0x5c: {  	_ =	shalt  }
0x5d: {  	_ =	shalt  }
0x5e: {  	_ =	shalt  }
0x5f: {  	_ =	shalt  }
0x60: {  	_ =	shalt  }
0x61: {  	_ =	shalt  }
0x62: {  	_ =	shalt  }
0x63: {  	_ =	shalt  }
0x64: {  	_ =	shalt  }
0x65: {  	_ =	shalt  }
0x66: {  	_ =	shalt  }
0x67: {  	_ =	shalt  }
0x68: {  	_ =	shalt  }
0x69: {  	_ =	shalt  }
0x6a: {  	_ =	shalt  }
0x6b: {  	_ =	shalt  }
0x6c: {  	_ =	shalt  }
0x6d: {  	_ =	shalt  }
0x6e: {  	_ =	shalt  }
0x6f: {  	_ =	shalt  }
0x70: {  	_ =	shalt  }
0x71: {  	_ =	shalt  }
0x72: {  	_ =	shalt  }
0x73: {  	_ =	shalt  }
0x74: {  	_ =	shalt  }
0x75: {  	_ =	shalt  }
0x76: {  	_ =	shalt  }
0x77: {  	_ =	shalt  }
0x78: {  	_ =	shalt  }
0x79: {  	_ =	shalt  }
0x7a: {  	_ =	shalt  }
0x7b: {  	_ =	shalt  }
0x7c: {  	_ =	shalt  }
0x7d: {  	_ =	shalt  }
0x7e: {  	_ =	shalt  }
0x7f: {  	_ =	shalt  }
0x80: {  	_ =	shalt  }
0x81: {  	_ =	shalt  }
0x82: {  	_ =	shalt  }
0x83: {  	_ =	shalt  }
0x84: {  	_ =	shalt  }
0x85: {  	_ =	shalt  }
0x86: {  	_ =	shalt  }
0x87: {  	_ =	shalt  }
.Lfunc_end0:
.L_simem_size_0:
called_computation_lowered:
.L_overlay_start_0:
0x88: {  	s0 =	sld [smem:$0x3FD9]  }
0x89: {  	s1 =	sld [smem:$0x3FFE];
	_ =	sdelay $0x3  }
0x8a: {  	s0 =	sadd.s32 s1, s0  }
0x8b: {  	[smem:$0x3FBC] =	sst s0  }
0x8c: {  	_ = 	snop  }
0x8d: {  	s14 =	sld [smem:$0x3FD0];
	(tm) =	ssettm $0x1  }
0x8e: {  	s15 =	sld [smem:$0x3FFB];
	_ =	sdelay $0x3  }
0x8f: {  	_ =	strace s15  }
0x90: {  	s0 =	sld [smem:$0x3FFC];
	_ =	sdelay $0x3  }
0x91: {  	_ =	strace s0  }
0x92: {  	s0 =	sld [smem:$0x3FFD];
	_ =	sdelay $0x3  }
0x93: {  	_ =	strace s0  }
0x94: {  	_ =	strace $0x8FFFFFFF  }
0x95: {  	s16 =	sld [smem:$0x3FDB];
	_ =	sdelay $0x1  }
0x96: {  	s2 =	simm.s32 $_scs_section_size  }
0x97: {  	s3 =	simm.s32 $_size__tile_overlayer_lowered;
	s4 =	simm.s32 $_tile_overlayer_lowered  }
0x98: {  	s5 =	simm.s32 $0x1BFF;
	s17 =	sshll.u32 s4, $0x1;
	s2 =	sadd.s32 s2, s16  }
0x99: {  	s18 =	simm.s32 $0x0;
	s3 =	sshll.u32 s3, $0x1;
	s4 =	sadd.s32 s17, s2  }
0x9a: {  	[timem:s18], [sflag:s5] =	dma.local [hbm:s4], s3  }
0x9b: {  	_ =	swait.ge [sflag:s5], s3  }
0x9c: {  	s3 =	ssub.s32 $0x0, s3;
	[sflag:s5] =	ssyncset.done $0x0  }
0x9d: {  	[sflag:s5] =	ssyncadd.s32 s3;
	_ =	sdelay $0x1  }
0x9e: {  	s19 =	simm.s32 $0x1B8B  }
0x9f: {  	_ =	swait.ge [sflag:s19], $0x1  }
0xa0: {  	[sflag:s19] =	ssyncset.done $0x0  }
0xa1: {  	s21 =	simm.s32 $0x1B8E;
	s20 =	sld [smem:$0x3FFE];
	[sflag:s19] =	ssyncadd.s32 $0xFFFFFFFF  }
0xa2: {  	s22 =	simm.s32 $execute0_lowered;
	[smem:$0x3FD2] =	sst s21  }
0xa3: {  	s4 =	sshll.u32 s22, $0x1;
	_ =	strace $0x80000049;
	[dreg:$0x1] =	wrdreg $0xFFFFFFFF  }
0xa4: {  	s23 =	simm.s32 $_size_execute0_lowered;
	s4 =	sadd.s32 s2, s4;
	[dreg:$0x0] =	wrdreg $0x0  }
0xa5: {  	s5 =	sshll.u32 s23, $0x1;
	[dreg:$0x2] =	wrdreg s4  }
0xa6: {  	[dreg:$0x3] =	wrdreg s5  }
0xa7: {  	[dreg:$0x4] =	wrdreg $0xC0  }
0xa8: {  	s24 =	simm.s32 $execute1_lowered;
	_ =	task [dreg:s18], $0x5FFFF  }
0xa9: {  	s4 =	sshll.u32 s24, $0x1;
	[dreg:$0x1] =	wrdreg $0xFFFFFFFF  }
0xaa: {  	s2 =	sadd.s32 s2, s4;
	[dreg:$0x0] =	wrdreg $0x60  }
0xab: {  	[dreg:$0x2] =	wrdreg s2  }
0xac: {  	[dreg:$0x3] =	wrdreg s14  }
0xad: {  	[dreg:$0x4] =	wrdreg s20  }
0xae: {  	[dreg:$0x5] =	wrdreg $0x9  }
0xaf: {  	_ =	task.clear_ibuf [dreg:s18], $0x6FFFF;
	_ =	strace $0x90000049  }
0xb0: {  	s25 =	simm.s32 $0x9;
	_ =	strace $0x8000004B  }
0xb1: {  	_ =	swait.ge [sflag:s25], $0x1  }
0xb2: {  	[sflag:s25] =	ssyncadd.s32 $0xFFFFFFFF  }
0xb3: {  	_ =	strace $0x9000004B  }
0xb4: {  	_ =	strace $0x8000004C;
	[dreg:$0x1] =	wrdreg $0xFFFFFFFF  }
0xb5: {  	[dreg:$0x0] =	wrdreg $0x2030  }
0xb6: {  	[dreg:$0x2] =	wrdreg s20  }
0xb7: {  	[dreg:$0x3] =	wrdreg $0xA  }
0xb8: {  	_ =	task.clear_ibuf [dreg:s18], $0x4FFFF;
	_ =	strace $0x9000004C  }
0xb9: {  	s26 =	simm.s32 $0xA;
	_ =	strace $0x8000004E  }
0xba: {  	_ =	swait.ge [sflag:s26], $0x1  }
0xbb: {  	[sflag:s26] =	ssyncadd.s32 $0xFFFFFFFF  }
0xbc: {  	_ =	strace $0x9000004E  }
0xbd: {  	_ =	sfence  }
0xbe: {  	s28 =	sld [smem:$0x0];
	_ =	sdelay $0x1  }
0xbf: {  	s29 =	srdreg.scid  }
0xc0: {  	s30 =	sshll.u32 s29, $0xD;
	s31 =	sshrl.u32 s29, $0x2  }
0xc1: {  	s3 =	sand.u32 $0x4000, s30;
	s2 =	sand.u32 $0x1, s29;
	s1 =	sadd.s32 s31, s28  }
0xc2: {  	s2 =	sor.u32 s3, s2;
	s1 =	sshll.u32 s1, $0x11  }
0xc3: {  	s1 =	sor.u32 s1, s2  }
0xc4: {  	s1 =	sadd.s32 $0x8F2B, s1  }
0xc5: {  	[sflag:s1] =	ssyncadd.remote.s32 $0x1  }
0xc6: {  	_ =	sfence.sel $0xFFFF  }
0xc7: {  	[dreg:$0x0] =	wrdreg $0xFFFFFFFF;
	(pc) =	sbr.abs _section_cstart, $3  }
0xc8: {  	[dreg:$0x1] =	wrdreg $0xFFFFFFFF  }
0xc9: {  	_ =	task.clear_ibuf [dreg:s18], $0x2FFFF;
	_ =	strace $0x9FFFFFFF  }
0xca: {  	(tm) =	ssettm $0x7FFFFFFF  }
0xcb: {  	_ =	shalt  }
tec
execute0_lowered:
.L_overlay_start_1:
0x0: {  	(tag) =	ssettag $0x1  }
0x1: {  	s3 =	rddreg [dreg:$0x0]  }
0x2: {  	s6 =	rddreg [dreg:$0x1]  }
0x3: {  	s5 =	rddreg [dreg:$0x2]  }
0x4: {  	s0 =	rddreg [dreg:$0x3];
	s2 =	stileid.u32;
	s1 =	simm.s32 $_size_execute1_lowered  }
0x5: {  	[bflag:$0x3] =	sbarrier.arrive $0xFFFF;
	p0 =	sne.s32 s2, $0x0;
	s1 =	sshll.u32 s1, $0x1  }
0x6: {  	s31 =	sshll.u32 s2, $0x3;
	s4 =	simm.s32 @!p0 $0x1C3F;
	s7 =	simm.s32 @!p0 $0x4060  }
0x7: {  	[timem:s7], [sflag:s4] =	dma.local @!p0 [hbm:s3], s1  }
0x8: {  	s7 =	ssub.s32 $0x8, s31  }
0x9: {  	p1 =	sgt.s32 s7, $0x0  }
0xa: {  	s7 =	simm.s32 @!p1 $0x0  }
0xb: {  	s7 =	sand.u32 $0x78, s7  }
0xc: {  	s10 =	simm.s32 $0x3;
	p1 =	sne.s32 s7, $0x0  }
0xd: {  	s10 =	simm.s32 @!p1 $0x2  }
0xe: {  	p3 =	sne.s32 s10, $0x1  }
.Ltmp0:
0xf: {  	s9 =	simm.s32 $0x0;
	s8 =	simm.s32 $0x1;
	(pc) =	sbr.rel @!p3 .LBB2_1-.Ltmp0, $4  }
0x10: {  	s13 =	simm.s32 $0xFFFFFFFF;
	s5 =	sadd.s32 $0x400, s5;
	s6 =	sadd.s32 s2, s6  }
0x11: {  	s3 =	simm.s32 $0x1;
	_ =	strace $0x8000004A;
	s7 =	simm.s32 $0x1  }
0x12: {  	s4 =	simm.s32 $0x2;
	[sflag:s3] =	ssyncpa.u1 $0x0;
	s7 =	simm.s32 @!p1 $0x0  }
0x13: {  	[sflag:s4] =	ssyncpa.u1 $0x0;
	p1 =	por $0x0, $0x0;
	p2 =	sle.u32 s7, $0x0  }
0x14: {  	p1 =	sle.u32 s7, $0xFFFFFFFF  }
0x15: {  	s11 =	simm.s32 @!p2 $0x8;
	s12 =	simm.s32 @!p2 $0x0;
	s13 =	simm.s32 @!p1 $0x1  }
0x16: {  	[tilespmem:s11], [sflag:$0x1] =	stream.linear.gather @!p2 [hbm4b:s6+s12], $0x8, $0x38;
	[tilespmem:$0x20] =	vst v63  }
0x17: {  	_ =	swait.ge @!p1 [sflag:s13], $0x8  }
0x18: {  	[sflag:s13] =	ssyncset.done @!p1 $0x0  }
0x19: {  	s9 =	sand.u32 @!p1 $0x8, s9;
	[sflag:s13] =	ssyncadd.s32 @!p1 $0xFFFFFFF8  }
0x1a: {  	v0 =	vld.msk @!p1 [tilespmem:s9+$0x0], $0xff;
	_ =	sdelay $0x2  }
0x1b: {  	p4 =	sne.s32 s10, $0x2  }
.Ltmp1:
0x1c: {  	p3 =	por $0x1, $0x1;
	s9 =	sor.u32 @!p1 $0x10, s9;
	(pc) =	sbr.rel @!p4 .LBB2_4-.Ltmp1, $4  }
0x1d: {  	s11 =	simm.s32 $0x2;
	s12 =	sadd.s32 @!p1 s5, s2;
	s13 =	simm.s32 @!p1 $0x0;
	[tilespmem:s9+$0x0] =	vst.msk @!p1 $0xff, v0  }
0x1e: {  	[hbm4b:s12+s13] =	stream.linear.scatter @!p1 [tilespmem:s9], [sflag:$0x2], $0x8, $0x38;
	[tilespmem:$0x20] =	vst v63  }
0x1f: {  	p2 =	sle.u32 s7, $0x1;
	s12 =	simm.s32 @!p3 $0x2;
	s9 =	simm.s32 $0x8  }
0x20: {  	s13 =	simm.s32 $0x0;
	p1 =	por $0x1, $0x1;
	_ =	swait.ge @!p3 [sflag:s12], $0x8  }
.LBB2_3:
0x21: {  	s14 =	simm.s32 @!p2 $0x8;
	p4 =	sge.u32 s13, s7;
	[sflag:s12] =	ssyncset.done @!p3 $0x0  }
0x22: {  	s13 =	simm.s32 @!p2 $0x0;
	s15 =	simm.s32 @!p4 $0x1;
	[sflag:s12] =	ssyncadd.s32 @!p3 $0xFFFFFFF8  }
0x23: {  	[tilespmem:s14], [sflag:$0x1] =	stream.linear.gather @!p2 [hbm4b:s6+s13], $0x8, $0x38;
	[tilespmem:$0x20] =	vst v63  }
0x24: {  	s13 =	smov.u32 s11;
	s11 =	sadd.s32 $0x1, s11;
	_ =	swait.ge @!p4 [sflag:s15], $0x8  }
0x25: {  	s12 =	sand.u32 @!p4 $0x8, s9;
	p5 =	sne.s32 s11, s10;
	[sflag:s15] =	ssyncset.done @!p4 $0x0  }
0x26: {  	[sflag:s15] =	ssyncadd.s32 @!p4 $0xFFFFFFF8  }
0x27: {  	v0 =	vld.msk @!p4 [tilespmem:s12+$0x0], $0xff;
	_ =	sdelay $0x2  }
.Ltmp2:
0x28: {  	s14 =	sor.u32 @!p4 $0x10, s12;
	(pc) =	sbr.rel @p5 .LBB2_3-.Ltmp2, $4  }
0x29: {  	s16 =	simm.s32 @!p4 $0x0;
	p3 =	slt.u32 s8, $0x2;
	s15 =	sadd.s32 @!p4 s5, s2  }
0x2a: {  	s9 =	sadd.s32 $0x8, s9;
	s8 =	smov.u32 s13;
	s12 =	simm.s32 @!p3 $0x2;
	[tilespmem:s14+$0x0] =	vst.msk @!p4 $0xff, v0  }
0x2b: {  	[hbm4b:s15+s16] =	stream.linear.scatter @!p4 [tilespmem:s14], [sflag:$0x2], $0x8, $0x38;
	[tilespmem:$0x20] =	vst v63  }
0x2c: {  	p2 =	sge.u32 s8, s7;
	s13 =	sadd.s32 $0xFFFFFFFF, s8;
	_ =	swait.ge @!p3 [sflag:s12], $0x8  }
.LBB2_4:
0x2d: {  	p3 =	por p3, !p1  }
0x2e: {  	s10 =	simm.s32 @!p2 $0x8;
	p1 =	sge.u32 s13, s7;
	[sflag:s12] =	ssyncset.done @!p3 $0x0  }
0x2f: {  	s7 =	simm.s32 @!p2 $0x0;
	s11 =	simm.s32 @!p1 $0x1;
	[sflag:s12] =	ssyncadd.s32 @!p3 $0xFFFFFFF8  }
0x30: {  	[tilespmem:s10], [sflag:$0x1] =	stream.linear.gather @!p2 [hbm4b:s6+s7], $0x8, $0x38;
	[tilespmem:$0x20] =	vst v63  }
0x31: {  	_ =	swait.ge @!p1 [sflag:s11], $0x8  }
0x32: {  	[sflag:s11] =	ssyncset.done @!p1 $0x0  }
0x33: {  	s6 =	sand.u32 @!p1 $0x8, s9;
	[sflag:s11] =	ssyncadd.s32 @!p1 $0xFFFFFFF8  }
0x34: {  	v0 =	vld.msk @!p1 [tilespmem:s6+$0x0], $0xff;
	_ =	sdelay $0x3  }
0x35: {  	p2 =	slt.u32 s8, $0x2;
	s6 =	sor.u32 @!p1 $0x10, s6  }
0x36: {  	s2 =	sadd.s32 @!p1 s5, s2;
	s5 =	simm.s32 @!p1 $0x0;
	s7 =	simm.s32 @!p2 $0x2;
	[tilespmem:s6+$0x0] =	vst.msk @!p1 $0xff, v0  }
0x37: {  	[hbm4b:s2+s5] =	stream.linear.scatter @!p1 [tilespmem:s6], [sflag:$0x2], $0x8, $0x38;
	[tilespmem:$0x20] =	vst v63  }
0x38: {  	_ =	swait.ge @!p2 [sflag:s7], $0x8  }
0x39: {  	[sflag:s7] =	ssyncset.done @!p2 $0x0  }
0x3a: {  	[sflag:s7] =	ssyncadd.s32 @!p2 $0xFFFFFFF8  }
0x3b: {  	_ =	sfence.sel $0x180000  }
0x3c: {  	[bflag:$0x0] =	sbarrier.arrive $0xFFFF  }
0x3d: {  	[sflag:s3] =	ssyncpa.u1 $0x1  }
0x3e: {  	[sflag:s4] =	ssyncpa.u1 $0x1  }
0x3f: {  	_ =	strace $0x9000004A  }
0x40: {  	s0 =	sadd.s32 @!p0 $0x100000, s0;
	[bflag:$0x2] =	sbarrier.arrive $0xFFFF  }
0x41: {  	[sflag:s0] =	ssyncadd.tile.s32 @!p0 $0x1;
	s0 =	simm.s32 @!p0 $0x3F  }
0x42: {  	_ =	swait.ge @!p0 [sflag:s0], s1  }
0x43: {  	s1 =	ssub.s32 @!p0 $0x0, s1;
	[sflag:s0] =	ssyncset.done @!p0 $0x0  }
0x44: {  	[sflag:s0] =	ssyncadd.s32 @!p0 s1  }
0x45: {  	[bflag:$0x3] =	sbarrier.arrive $0xFFFF  }
0x46: {  	_ =	shalt  }
.LBB2_1:
.Ltmp3:
0x47: {  	(pc) =	sbr.rel .LBB2_4-.Ltmp3, $2  }
0x48: {  	_ =	sdelay $0x2  }
0x49: {  	s8 =	simm.s32 $0x0  }
.Lfunc_end2:
execute1_lowered:
.L_overlay_start_2:
0x4a: {  	(tag) =	ssettag $0x2  }
0x4b: {  	s4 =	rddreg [dreg:$0x0]  }
0x4c: {  	s0 =	rddreg [dreg:$0x1];
	_ =	strace $0x8000004D;
	s3 =	stileid.u32  }
0x4d: {  	s5 =	simm.s32 $0x3E;
	s1 =	sadd.s32 $0x400, s4;
	p0 =	sne.s32 s3, $0x0  }
0x4e: {  	[sflag:s5] =	ssyncpa.u1 $0x0;
	s31 =	smin.u32 s3, $0x8;
	p1 =	slt.u32 s3, $0x8  }
0x4f: {  	s3 =	simm.s32 $0x10;
	s6 =	simm.s32 @!p0 $0x1C3E;
	s2 =	simm.s32 @!p0 $0x0  }
0x50: {  	[spmem:s2], [sflag:s6] =	dma.local @!p0 [hbm:s1], $0x10  }
0x51: {  	s3 =	simm.s32 @!p1 $0x0;
	s6 =	sshll.u32 s31, $0x4  }
0x52: {  	s3 =	sadd.s32 s3, s6  }
0x53: {  	s9 =	smin.u32 s3, $0x80  }
0x54: {  	s8 =	ssub.s32 s9, s6  }
0x55: {  	p1 =	sgt.s32 s8, $0x0  }
0x56: {  	s7 =	simm.s32 @!p0 $0x3E;
	s8 =	simm.s32 @!p1 $0x0  }
0x57: {  	_ =	swait.ge @!p0 [sflag:s7], $0x10;
	s10 =	sshrl.u32 s8, $0x4  }
0x58: {  	[sflag:s7] =	ssyncset.done @!p0 $0x0;
	s11 =	sadd.s32 $0x1, s10  }
0x59: {  	[sflag:s7] =	ssyncadd.s32 @!p0 $0xFFFFFFF0;
	p1 =	sne.s32 s11, $0x1  }
.Ltmp4:
0x5a: {  	p3 =	por $0x0, $0x0;
	[bflag:$0x0] =	sbarrier.arrive $0xFFFF;
	(pc) =	sbr.rel @!p1 .LBB3_1-.Ltmp4, $4  }
0x5b: {  	s3 =	simm.s32 $0x1;
	s7 =	sadd.s32 $0x200, s4;
	[sflag:s5] =	ssyncpa.u1 $0x1  }
0x5c: {  	s5 =	simm.s32 $0x2;
	s8 =	simm.s32 $0x0;
	p2 =	sle.u32 s10, $0x0  }
0x5d: {  	[sflag:s3] =	ssyncpa.u1 $0x0;
	(ifvalue) =	ssetifvalue $0x80;
	s12 =	sxor.u32 @!p2 $0xFFFFFFFF, s8  }
0x5e: {  	[sflag:s5] =	ssyncpa.u1 $0x0;
	s15 =	sshrl.u32 @!p2 s6, $0x3;
	s16 =	sand.u32 @!p2 $0x10, s12  }
0x5f: {  	s12 =	sadd.s32 @!p2 s4, s15  }
0x60: {  	s13 =	sor.u32 @!p2 $0x8, s16;
	s14 =	sand.u32 @!p2 $0x7, s6;
	p1 =	por $0x1, $0x1  }
0x61: {  	[tilespmem:s13], [sflag:$0x2] =	stream.linear.gather @!p2 [hbm4b:s12+s14], $0x10, $0x38;
	[tilespmem:$0x48] =	vst v63  }
0x62: {  	s15 =	sadd.s32 @!p2 s7, s15;
	s12 =	sor.u32 @!p2 $0x28, s16;
	s13 =	simm.s32 @!p1 $0x2  }
0x63: {  	[tilespmem:s12], [sflag:$0x2] =	stream.linear.gather @!p2 [hbm4b:s15+s14], $0x10, $0x38;
	[tilespmem:$0x48] =	vst v63  }
0x64: {  	_ =	swait.ge @!p1 [sflag:s13], $0x20  }
0x65: {  	s8 =	sand.u32 @!p1 $0x10, s8;
	[sflag:s13] =	ssyncset.done @!p1 $0x0  }
0x66: {  	s12 =	sor.u32 @!p1 $0x8, s8;
	[sflag:s13] =	ssyncadd.s32 @!p1 $0xFFFFFFE0  }
0x67: {  	v0 =	vld.msk @!p1 [tilespmem:s12+$0x0 ss:$0x1], $0xffff;
	_ =	sdelay $0x3  }
0x68: {  	p4 =	sne.s32 s11, $0x2  }
.Ltmp5:
0x69: {  	s18 =	simm.s32 @!p1 $0x0;
	s17 =	simm.s32 @!p1 $0x1;
	v0 =	vmin.u32 @!p1 v0, $0x80;
	(pc) =	sbr.rel @!p4 .LBB3_3-.Ltmp5, $4  }
0x6a: {  	s15 =	sadd.s32 $0x10, s6;
	p2 =	sle.u32 s10, $0x1;
	s14 =	smov.u32 s6  }
0x6b: {  	p3 =	slt.s32 s15, s9;
	s13 =	sor.u32 @!p1 $0x28, s8;
	s8 =	simm.s32 $0x10  }
0x6c: {  	s14 =	smov.u32 @p3 s15;
	p3 =	por $0x1, $0x1;
	s16 =	sxor.u32 @!p2 $0xFFFFFFFF, s8  }
0x6d: {  	vm0 =	vmmov @!p1 $0xffff;
	s15 =	sshrl.u32 @!p2 s14, $0x3;
	s12 =	simm.s32 $0x2;
	s16 =	sand.u32 @!p2 $0x10, s16  }
.LBB3_4:
0x6e: {  	[spmem:s18] =	stream.indirect_vreg.scatter.add.s32 @!p1 [tilespmem:s13], [sflag:$0x1], $0x1, v0, vm0, $0x4038;
	[tilespmem:$0x48] =	vst v63  }
0x6f: {  	s13 =	sadd.s32 @!p2 s4, s15;
	s18 =	sor.u32 @!p2 $0x8, s16;
	_ =	swait.ge @!p1 [sflag:s17], $0x10  }
0x70: {  	s19 =	smov.u32 s12;
	s12 =	sadd.s32 $0x1, s12;
	[sflag:s17] =	ssyncset.done @!p1 $0x0  }
0x71: {  	s20 =	sand.u32 @!p2 $0x7, s14;
	[sflag:s17] =	ssyncadd.s32 @!p1 $0xFFFFFFF0;
	p1 =	seq.s32 s8, $0x0  }
0x72: {  	[tilespmem:s18], [sflag:$0x2] =	stream.linear.gather @!p2 [hbm4b:s13+s20], $0x10, $0x38;
	[tilespmem:$0x48] =	vst v63  }
0x73: {  	s16 =	sor.u32 @!p2 $0x28, s16;
	s17 =	simm.s32 @!p1 $0x2;
	s13 =	sand.u32 @!p1 $0x10, s8  }
0x74: {  	s15 =	sadd.s32 @!p2 s7, s15;
	s18 =	sor.u32 @!p1 $0x8, s13;
	s13 =	sor.u32 @!p1 $0x28, s13  }
0x75: {  	[tilespmem:s16], [sflag:$0x2] =	stream.linear.gather @!p2 [hbm4b:s15+s20], $0x10, $0x38;
	[tilespmem:$0x48] =	vst v63  }
0x76: {  	p4 =	sne.s32 s11, s12;
	_ =	swait.ge @!p1 [sflag:s17], $0x20  }
0x77: {  	[sflag:s17] =	ssyncset.done @!p1 $0x0  }
0x78: {  	[sflag:s17] =	ssyncadd.s32 @!p1 $0xFFFFFFE0  }
0x79: {  	v0 =	vld.msk @!p1 [tilespmem:s18+$0x0 ss:$0x1], $0xffff;
	_ =	sdelay $0x5  }
.Ltmp6:
0x7a: {  	s8 =	sadd.s32 $0x10, s8;
	v0 =	vmin.u32 @!p1 v0, $0x80;
	(pc) =	sbr.rel @p4 .LBB3_4-.Ltmp6, $4  }
0x7b: {  	vm0 =	vmmov @!p1 $0xffff;
	s15 =	sadd.s32 $0x10, s14;
	p2 =	sge.u32 s19, s10;
	s18 =	simm.s32 @!p1 $0x0  }
0x7c: {  	s14 =	smov.u32 s6;
	p5 =	slt.s32 s15, s9;
	s17 =	simm.s32 @!p1 $0x1  }
0x7d: {  	s16 =	sxor.u32 @!p2 $0xFFFFFFFF, s8;
	s14 =	smov.u32 @p5 s15  }
0x7e: {  	s16 =	sand.u32 @!p2 $0x10, s16;
	s15 =	sshrl.u32 @!p2 s14, $0x3  }
0x7f: {  	s6 =	smov.u32 s14  }
.LBB3_6:
0x80: {  	_ =	sdelay $0x2  }
0x81: {  	p3 =	por p1, !p3  }
0x82: {  	[spmem:s18] =	stream.indirect_vreg.scatter.add.s32 @!p3 [tilespmem:s13], [sflag:$0x1], $0x1, v0, vm0, $0x4038;
	[tilespmem:$0x48] =	vst v63  }
0x83: {  	_ =	swait.ge @!p3 [sflag:s17], $0x10  }
0x84: {  	s4 =	sadd.s32 @!p2 s4, s15;
	s9 =	sor.u32 @!p2 $0x8, s16;
	[sflag:s17] =	ssyncset.done @!p3 $0x0  }
0x85: {  	s6 =	sand.u32 @!p2 $0x7, s6;
	p1 =	seq.s32 s8, $0x0;
	[sflag:s17] =	ssyncadd.s32 @!p3 $0xFFFFFFF0  }
0x86: {  	[tilespmem:s9], [sflag:$0x2] =	stream.linear.gather @!p2 [hbm4b:s4+s6], $0x10, $0x38;
	[tilespmem:$0x48] =	vst v63  }
0x87: {  	s7 =	sadd.s32 @!p2 s7, s15;
	s4 =	sor.u32 @!p2 $0x28, s16;
	s9 =	simm.s32 @!p1 $0x2  }
0x88: {  	[tilespmem:s4], [sflag:$0x2] =	stream.linear.gather @!p2 [hbm4b:s7+s6], $0x10, $0x38;
	[tilespmem:$0x48] =	vst v63  }
0x89: {  	_ =	swait.ge @!p1 [sflag:s9], $0x20  }
0x8a: {  	s4 =	sand.u32 @!p1 $0x10, s8;
	[sflag:s9] =	ssyncset.done @!p1 $0x0  }
0x8b: {  	s6 =	sor.u32 @!p1 $0x8, s4;
	[sflag:s9] =	ssyncadd.s32 @!p1 $0xFFFFFFE0  }
0x8c: {  	v0 =	vld.msk @!p1 [tilespmem:s6+$0x0 ss:$0x1], $0xffff;
	_ =	sdelay $0x4  }
0x8d: {  	v0 =	vmin.u32 @!p1 v0, $0x80;
	_ =	sdelay $0x3  }
0x8e: {  	vm0 =	vmmov @!p1 $0xffff;
	s7 =	simm.s32 @!p1 $0x1;
	s4 =	sor.u32 @!p1 $0x28, s4;
	s6 =	simm.s32 @!p1 $0x0  }
0x8f: {  	[spmem:s6] =	stream.indirect_vreg.scatter.add.s32 @!p1 [tilespmem:s4], [sflag:$0x1], $0x1, v0, vm0, $0x4038;
	[tilespmem:$0x48] =	vst v63  }
0x90: {  	_ =	swait.ge @!p1 [sflag:s7], $0x10  }
0x91: {  	[sflag:s7] =	ssyncset.done @!p1 $0x0  }
0x92: {  	[sflag:s7] =	ssyncadd.s32 @!p1 $0xFFFFFFF0  }
0x93: {  	_ =	sfence.sel $0x180000  }
0x94: {  	[bflag:$0x0] =	sbarrier.arrive $0xFFFF  }
0x95: {  	[sflag:s5] =	ssyncpa.u1 $0x1  }
0x96: {  	[sflag:s3] =	ssyncpa.u1 $0x1  }
0x97: {  	_ =	sfence.stream.spmem  }
0x98: {  	s31 =	simm.s32 $0x3D;
	[bflag:$0x0] =	sbarrier.arrive $0xFFFF  }
0x99: {  	s3 =	simm.s32 @p0 $0x3D;
	[sflag:s31] =	ssyncpa.u1 $0x0  }
0x9a: {  	[sflag:s3] =	ssyncpa.u1 @p0 $0x1  }
0x9b: {  	[bflag:$0x0] =	sbarrier.arrive @p0 $0xFFFF  }
0x9c: {  	_ =	strace @p0 $0x9000004D  }
0x9d: {  	s3 =	simm.s32 @!p0 $0x1C3D;
	[bflag:$0x2] =	sbarrier.arrive @p0 $0xFFFF  }
0x9e: {  	[hbm:s1], [sflag:s3] =	dma.local @!p0 [spmem:s2], $0x10  }
0x9f: {  	s1 =	simm.s32 @!p0 $0x3D  }
0xa0: {  	_ =	swait.ge @!p0 [sflag:s1], $0x10  }
0xa1: {  	[sflag:s1] =	ssyncset.done @!p0 $0x0  }
0xa2: {  	[sflag:s1] =	ssyncadd.s32 @!p0 $0xFFFFFFF0  }
0xa3: {  	[sflag:s1] =	ssyncpa.u1 @!p0 $0x1  }
0xa4: {  	[bflag:$0x0] =	sbarrier.arrive @!p0 $0xFFFF  }
0xa5: {  	_ =	strace @!p0 $0x9000004D  }
0xa6: {  	s0 =	sadd.s32 @!p0 $0x100000, s0;
	[bflag:$0x2] =	sbarrier.arrive @!p0 $0xFFFF  }
0xa7: {  	[sflag:s0] =	ssyncadd.tile.s32 @!p0 $0x1;
	_ =	shalt  }
.LBB3_1:
.Ltmp7:
0xa8: {  	(pc) =	sbr.rel .LBB3_6-.Ltmp7, $2  }
0xa9: {  	_ =	sdelay $0x2  }
0xaa: {  	_ = 	snop  }
.LBB3_3:
.Ltmp8:
0xab: {  	(pc) =	sbr.rel .LBB3_6-.Ltmp8, $2  }
0xac: {  	_ =	sdelay $0x2  }
0xad: {  	s6 =	smov.u32 s14  }
.Lfunc_end3:
_tile_overlayer_lowered:
.L_overlay_start_3:
0xae: {  	(tag) =	ssettag $0x3  }
0xaf: {  	s0 =	rddreg [dreg:$0x0];
	s2 =	stileid.u32  }
0xb0: {  	s1 =	rddreg [dreg:$0x1];
	p0 =	sne.s32 s2, $0x0  }
0xb1: {  	s3 =	rddreg [dreg:$0x2];
	[bflag:$0x3] =	sbarrier.arrive $0xFFFF;
	s2 =	simm.s32 @!p0 $0x1C01  }
0xb2: {  	[timem:s3], [sflag:s2] =	dma.local @!p0 [hbm:s0], s1  }
0xb3: {  	s0 =	simm.s32 @!p0 $0x1  }
0xb4: {  	_ =	swait.ge @!p0 [sflag:s0], s1  }
0xb5: {  	s1 =	ssub.s32 @!p0 $0x0, s1;
	[sflag:s0] =	ssyncset.done @!p0 $0x0  }
0xb6: {  	[sflag:s0] =	ssyncadd.s32 @!p0 s1  }
0xb7: {  	[bflag:$0x3] =	sbarrier.arrive $0xFFFF  }
0xb8: {  	_ =	shalt  }

// kernel: sparse-core-data-format-call.cloned.1.call-start
scs
called_computation.4_lowered:
.L_overlay_start_0:
0x0: {  	s1 =	sld [smem:$0x3FD9]  }
0x1: {  	s2 =	sld [smem:$0x3FFE];
	_ =	sdelay $0x1  }
0x2: {  	s3 =	srdreg.scid  }
0x3: {  	s0 =	sand.u32 $0x1, s3  }
0x4: {  	s17 =	sshll.u32 s0, $0xA;
	s1 =	sadd.s32 s2, s1  }
0x5: {  	s1 =	sadd.s32 s1, s17  }
0x6: {  	[smem:$0x3FBC] =	sst s1  }
0x7: {  	_ = 	snop  }
0x8: {  	(tm) =	ssettm $0x1  }
0x9: {  	s18 =	sld [smem:$0x3FFB];
	_ =	sdelay $0x3  }
0xa: {  	_ =	strace s18  }
0xb: {  	s1 =	sld [smem:$0x3FFC];
	_ =	sdelay $0x3  }
0xc: {  	_ =	strace s1  }
0xd: {  	s1 =	sld [smem:$0x3FFD];
	_ =	sdelay $0x3  }
0xe: {  	_ =	strace s1  }
0xf: {  	_ =	strace $0x8FFFFFFF  }
0x10: {  	s19 =	sld [smem:$0x3FDB];
	_ =	sdelay $0x1  }
0x11: {  	s20 =	simm.s32 $_scs_section_size  }
0x12: {  	s4 =	simm.s32 $_size__tile_overlayer_lowered;
	s5 =	simm.s32 $_tile_overlayer_lowered  }
0x13: {  	s23 =	simm.s32 $0x1BFF;
	s22 =	sshll.u32 s5, $0x1;
	s1 =	sadd.s32 s20, s19  }
0x14: {  	s6 =	simm.s32 $0x0;
	s21 =	sshll.u32 s4, $0x1;
	s4 =	sadd.s32 s22, s1  }
0x15: {  	[timem:s6], [sflag:s23] =	dma.local [hbm:s4], s21  }
0x16: {  	_ =	swait.ge [sflag:s23], s21  }
0x17: {  	s2 =	ssub.s32 $0x0, s21;
	[sflag:s23] =	ssyncset.done $0x0  }
0x18: {  	[sflag:s23] =	ssyncadd.s32 s2;
	_ =	sdelay $0x1  }
0x19: {  	s24 =	simm.s32 $0x1B8B  }
0x1a: {  	_ =	swait.ge [sflag:s24], $0x1  }
0x1b: {  	[sflag:s24] =	ssyncset.done $0x0  }
0x1c: {  	s26 =	simm.s32 $0x1B8E;
	s25 =	sld [smem:$0x3FFE];
	[sflag:s24] =	ssyncadd.s32 $0xFFFFFFFF  }
0x1d: {  	s27 =	simm.s32 $execute0_lowered;
	[smem:$0x3FD2] =	sst s26  }
0x1e: {  	s4 =	sshll.u32 s27, $0x1;
	_ =	strace $0x80000046;
	[dreg:$0x1] =	wrdreg $0xFFFFFFFF  }
0x1f: {  	s28 =	simm.s32 $_size_execute0_lowered;
	s1 =	sadd.s32 s1, s4;
	[dreg:$0x0] =	wrdreg $0x0  }
0x20: {  	s4 =	sshll.u32 s28, $0x1;
	[dreg:$0x2] =	wrdreg s1  }
0x21: {  	[dreg:$0x3] =	wrdreg s4  }
0x22: {  	[dreg:$0x4] =	wrdreg $0xC0  }
0x23: {  	_ =	task [dreg:s6], $0x5FFFF  }
0x24: {  	[dreg:$0x1] =	wrdreg $0xFFFFFFFF  }
0x25: {  	[dreg:$0x0] =	wrdreg $0x60  }
0x26: {  	[dreg:$0x2] =	wrdreg s25  }
0x27: {  	[dreg:$0x3] =	wrdreg $0x9  }
0x28: {  	_ =	task.clear_ibuf [dreg:s6], $0x4FFFF;
	_ =	strace $0x90000046  }
0x29: {  	s29 =	simm.s32 $0x9;
	_ =	strace $0x80000048  }
0x2a: {  	_ =	swait.ge [sflag:s29], $0x1  }
0x2b: {  	[sflag:s29] =	ssyncadd.s32 $0xFFFFFFFF  }
0x2c: {  	_ =	strace $0x90000048  }
0x2d: {  	_ =	sfence  }
0x2e: {  	s30 =	sld [smem:$0x0];
	_ =	sdelay $0x2  }
0x2f: {  	s31 =	sshll.u32 s3, $0xD;
	s3 =	sshrl.u32 s3, $0x2  }
0x30: {  	s2 =	sand.u32 $0x4000, s31;
	s1 =	sadd.s32 s3, s30  }
0x31: {  	s0 =	sor.u32 s2, s0;
	s1 =	sshll.u32 s1, $0x11  }
0x32: {  	s0 =	sor.u32 s1, s0  }
0x33: {  	s0 =	sadd.s32 $0x8F2B, s0  }
0x34: {  	[sflag:s0] =	ssyncadd.remote.s32 $0x1  }
0x35: {  	_ =	sfence.sel $0xFFFF  }
0x36: {  	[dreg:$0x0] =	wrdreg $0xFFFFFFFF;
	(pc) =	sbr.abs _section_cstart, $3  }
0x37: {  	[dreg:$0x1] =	wrdreg $0xFFFFFFFF  }
0x38: {  	_ =	task.clear_ibuf [dreg:s6], $0x2FFFF;
	_ =	strace $0x9FFFFFFF  }
0x39: {  	(tm) =	ssettm $0x7FFFFFFF  }
tec
execute0_lowered:
.L_overlay_start_1:
0x0: {  	(tag) =	ssettag $0x1  }
0x1: {  	s11 =	stileid.u32  }
0x2: {  	s0 =	srdreg.scid;
	s5 =	rddreg [dreg:$0x0];
	_ =	strace $0x80000047  }
0x3: {  	s4 =	simm.s32 $0x1;
	s20 =	simm.s32 $0x2;
	s30 =	simm.s32 $0x0  }
0x4: {  	s31 =	simm.s32 $0x0;
	s27 =	stileid.u32;
	s28 =	simm.s32 $0x0  }
0x5: {  	s29 =	simm.s32 $0x0;
	s1 =	ssub.s32 $0xE, s11;
	s2 =	sand.u32 $0x1, s0  }
0x6: {  	[sflag:s4] =	ssyncpa.u1 $0x0;
	s21 =	sadd.s32 $0x24C000, s5;
	s22 =	sadd.s32 $0xE00, s5  }
0x7: {  	s23 =	sadd.s32 $0x1C00, s5;
	s24 =	sadd.s32 $0x2A00, s5;
	s25 =	sadd.s32 $0x3800, s5  }
0x8: {  	s26 =	sadd.s32 $0x4600, s5;
	s12 =	sadd.s32 $0x5400, s5;
	s13 =	sadd.s32 $0x6200, s5  }
0x9: {  	s14 =	sadd.s32 $0x7000, s5;
	s15 =	sadd.s32 $0x7E00, s5;
	s16 =	sadd.s32 $0x8C00, s5  }
0xa: {  	s17 =	sadd.s32 $0x9A00, s5;
	s18 =	sadd.s32 $0xA800, s5;
	p0 =	sgt.s32 s1, $0x0  }
0xb: {  	s0 =	ssub.s32 $0xE, s2;
	[dreg:$0x2] =	wrdreg s21;
	s1 =	simm.s32 @!p0 $0x0  }
0xc: {  	[dreg:$0x3] =	wrdreg s22;
	s3 =	sshrl.u32 s0, $0x1;
	s1 =	sadd.s32 $0xF, s1  }
0xd: {  	[dreg:$0x4] =	wrdreg s23;
	s0 =	ssub.s32 s0, s3;
	s1 =	sshrl.u32 s1, $0x4  }
0xe: {  	s19 =	sadd.s32 $0xB600, s5;
	[dreg:$0x5] =	wrdreg s24;
	s0 =	smul.u32 s0, s1  }
.Ltmp0:
0xf: {  	[sflag:s20] =	ssyncpa.u1 $0x0;
	[dreg:$0x6] =	wrdreg s25;
	(pc) =	sbr.rel .LBB1_1-.Ltmp0, $4  }
0x10: {  	[dreg:$0x7] =	wrdreg s26;
	s20 =	sadd.s32 $0xC400, s5;
	s21 =	sadd.s32 $0xD200, s5  }
0x11: {  	s23 =	simm.s32 $0x40;
	s24 =	simm.s32 $0x80;
	s6 =	smul.u32 $0x3, s0  }
0x12: {  	s25 =	simm.s32 $0x0;
	s26 =	smov.u32 s2;
	p0 =	por $0x0, $0x0  }
0x13: {  	s3 =	simm.s32 $0x0;
	s1 =	simm.s32 $0x0;
	s22 =	sadd.s32 $0x1, s6  }
.LBB1_9:
0x14: {  	s0 =	sadd.s32 $0x2, s26  }
0x15: {  	s1 =	sadd.s32 $0x10, s25;
	s5 =	smov.u32 s25;
	p2 =	sgt.s32 s0, $0xD  }
0x16: {  	s5 =	smov.u32 @p2 s1  }
0x17: {  	s7 =	smov.u32 s27;
	s1 =	sadd.s32 $0x10, s27;
	p3 =	sgt.s32 s5, $0xF  }
0x18: {  	s7 =	smov.u32 @p3 s1  }
0x19: {  	s1 =	simm.s32 $0x1;
	p4 =	sgt.s32 s7, $0xD  }
0x1a: {  	s1 =	simm.s32 @!p4 $0x0  }
0x1b: {  	p1 =	slt.u32 s29, $0x2;
	s9 =	sadd.s32 s1, s28  }
0x1c: {  	s30 =	smov.u32 s26;
	s0 =	smov.u32 @p2 s2;
	p2 =	sgt.s32 s9, $0x2  }
0x1d: {  	s8 =	simm.s32 @!p1 $0x2;
	s9 =	simm.s32 @p2 $0x0;
	p2 =	sne.s32 s29, s22  }
.Ltmp1:
0x1e: {  	s31 =	smov.u32 s25;
	_ =	swait.ge @!p1 [sflag:s8], $0x4000;
	(pc) =	sbr.rel @!p2 .LBB1_10-.Ltmp1, $4  }
0x1f: {  	s3 =	smov.u32 s28;
	p0 =	por !p0, !p0;
	[sflag:s8] =	ssyncset.done @!p1 $0x0  }
0x20: {  	s26 =	smov.u32 s0;
	s5 =	simm.s32 @p3 $0x0;
	[sflag:s8] =	ssyncadd.s32 @!p1 $0xFFFFC000  }
0x21: {  	s25 =	smov.u32 s5;
	s7 =	smov.u32 @p4 s11;
	s1 =	smov.u32 s27  }
0x22: {  	s27 =	smov.u32 s7;
	s29 =	sadd.s32 $0x1, s29;
	s28 =	smov.u32 s9  }
.LBB1_1:
0x23: {  	p1 =	sge.u32 s29, s6  }
.Ltmp2:
0x24: {  	_ = 	snop;
	(pc) =	sbr.rel @p1 .LBB1_3-.Ltmp2, $1  }
0x25: {  	_ =	sdelay $0x3  }
0x26: {  	s5 =	smul.u32 $0xC4000, s28  }
0x27: {  	s7 =	smul.u32 $0xE000, s27  }
0x28: {  	s0 =	smul.u32 $0xE00, s25  }
0x29: {  	s9 =	rddreg [dreg:$0x0]  }
0x2a: {  	s8 =	sxor.u32 $0xFFFFFFFF, s29;
	s5 =	sadd.s32 s5, s7;
	s9 =	sadd.s32 s9, s0  }
0x2b: {  	s8 =	sshll.u32 s8, $0xE;
	s7 =	sshll.u32 s26, $0x8;
	s9 =	sadd.s32 s5, s9  }
0x2c: {  	s10 =	rddreg [dreg:$0x3];
	s8 =	sand.u32 $0x4000, s8;
	s9 =	sadd.s32 s7, s9  }
0x2d: {  	[tilespmem:s8], [sflag:$0x1] =	stream.strided.gather [hbm4b:s9+s23], $0x400, s24, s23, $0x38;
	[tilespmem:$0x10000] =	vst v63  }
0x2e: {  	s9 =	sadd.s32 s0, s10  }
0x2f: {  	s9 =	sadd.s32 s5, s9  }
0x30: {  	s10 =	sor.u32 $0x400, s8;
	s9 =	sadd.s32 s7, s9  }
0x31: {  	[tilespmem:s10], [sflag:$0x1] =	stream.strided.gather [hbm4b:s9+s23], $0x400, s24, s23, $0x38;
	[tilespmem:$0x10000] =	vst v63  }
0x32: {  	s10 =	rddreg [dreg:$0x4]  }
0x33: {  	s9 =	sadd.s32 s0, s10  }
0x34: {  	s9 =	sadd.s32 s5, s9  }
0x35: {  	s10 =	sor.u32 $0x800, s8;
	s9 =	sadd.s32 s7, s9  }
0x36: {  	[tilespmem:s10], [sflag:$0x1] =	stream.strided.gather [hbm4b:s9+s23], $0x400, s24, s23, $0x38;
	[tilespmem:$0x10000] =	vst v63  }
0x37: {  	s10 =	rddreg [dreg:$0x5]  }
0x38: {  	s9 =	sadd.s32 s0, s10  }
0x39: {  	s9 =	sadd.s32 s5, s9  }
0x3a: {  	s10 =	sor.u32 $0xC00, s8;
	s9 =	sadd.s32 s7, s9  }
0x3b: {  	[tilespmem:s10], [sflag:$0x1] =	stream.strided.gather [hbm4b:s9+s23], $0x400, s24, s23, $0x38;
	[tilespmem:$0x10000] =	vst v63  }
0x3c: {  	s10 =	rddreg [dreg:$0x6]  }
0x3d: {  	s9 =	sadd.s32 s0, s10  }
0x3e: {  	s9 =	sadd.s32 s5, s9  }
0x3f: {  	s10 =	sor.u32 $0x1000, s8;
	s9 =	sadd.s32 s7, s9  }
0x40: {  	[tilespmem:s10], [sflag:$0x1] =	stream.strided.gather [hbm4b:s9+s23], $0x400, s24, s23, $0x38;
	[tilespmem:$0x10000] =	vst v63  }
0x41: {  	s10 =	rddreg [dreg:$0x7]  }
0x42: {  	s9 =	sadd.s32 s0, s10  }
0x43: {  	s9 =	sadd.s32 s5, s9  }
0x44: {  	s10 =	sor.u32 $0x1400, s8;
	s9 =	sadd.s32 s7, s9  }
0x45: {  	[tilespmem:s10], [sflag:$0x1] =	stream.strided.gather [hbm4b:s9+s23], $0x400, s24, s23, $0x38;
	[tilespmem:$0x10000] =	vst v63  }
0x46: {  	s10 =	sadd.s32 s0, s12  }
0x47: {  	s9 =	sadd.s32 s5, s10  }
0x48: {  	s10 =	sor.u32 $0x1800, s8;
	s9 =	sadd.s32 s7, s9  }
0x49: {  	[tilespmem:s10], [sflag:$0x1] =	stream.strided.gather [hbm4b:s9+s23], $0x400, s24, s23, $0x38;
	[tilespmem:$0x10000] =	vst v63  }
0x4a: {  	s10 =	sadd.s32 s0, s13  }
0x4b: {  	s9 =	sadd.s32 s5, s10  }
0x4c: {  	s10 =	sor.u32 $0x1C00, s8;
	s9 =	sadd.s32 s7, s9  }
0x4d: {  	[tilespmem:s10], [sflag:$0x1] =	stream.strided.gather [hbm4b:s9+s23], $0x400, s24, s23, $0x38;
	[tilespmem:$0x10000] =	vst v63  }
0x4e: {  	s10 =	sadd.s32 s0, s14  }
0x4f: {  	s9 =	sadd.s32 s5, s10  }
0x50: {  	s10 =	sor.u32 $0x2000, s8;
	s9 =	sadd.s32 s7, s9  }
0x51: {  	[tilespmem:s10], [sflag:$0x1] =	stream.strided.gather [hbm4b:s9+s23], $0x400, s24, s23, $0x38;
	[tilespmem:$0x10000] =	vst v63  }
0x52: {  	s10 =	sadd.s32 s0, s15  }
0x53: {  	s9 =	sadd.s32 s5, s10  }
0x54: {  	s10 =	sor.u32 $0x2400, s8;
	s9 =	sadd.s32 s7, s9  }
0x55: {  	[tilespmem:s10], [sflag:$0x1] =	stream.strided.gather [hbm4b:s9+s23], $0x400, s24, s23, $0x38;
	[tilespmem:$0x10000] =	vst v63  }
0x56: {  	s10 =	sadd.s32 s0, s16  }
0x57: {  	s9 =	sadd.s32 s5, s10  }
0x58: {  	s10 =	sor.u32 $0x2800, s8;
	s9 =	sadd.s32 s7, s9  }
0x59: {  	[tilespmem:s10], [sflag:$0x1] =	stream.strided.gather [hbm4b:s9+s23], $0x400, s24, s23, $0x38;
	[tilespmem:$0x10000] =	vst v63  }
0x5a: {  	s10 =	sadd.s32 s0, s17  }
0x5b: {  	s9 =	sadd.s32 s5, s10  }
0x5c: {  	s10 =	sor.u32 $0x2C00, s8;
	s9 =	sadd.s32 s7, s9  }
0x5d: {  	[tilespmem:s10], [sflag:$0x1] =	stream.strided.gather [hbm4b:s9+s23], $0x400, s24, s23, $0x38;
	[tilespmem:$0x10000] =	vst v63  }
0x5e: {  	s10 =	sadd.s32 s0, s18  }
0x5f: {  	s9 =	sadd.s32 s5, s10  }
0x60: {  	s10 =	sor.u32 $0x3000, s8;
	s9 =	sadd.s32 s7, s9  }
0x61: {  	[tilespmem:s10], [sflag:$0x1] =	stream.strided.gather [hbm4b:s9+s23], $0x400, s24, s23, $0x38;
	[tilespmem:$0x10000] =	vst v63  }
0x62: {  	s10 =	sadd.s32 s0, s19  }
0x63: {  	s9 =	sadd.s32 s5, s10  }
0x64: {  	s10 =	sor.u32 $0x3400, s8;
	s9 =	sadd.s32 s7, s9  }
0x65: {  	[tilespmem:s10], [sflag:$0x1] =	stream.strided.gather [hbm4b:s9+s23], $0x400, s24, s23, $0x38;
	[tilespmem:$0x10000] =	vst v63  }
0x66: {  	s10 =	sadd.s32 s0, s20  }
0x67: {  	s0 =	sadd.s32 s0, s21;
	s9 =	sadd.s32 s5, s10  }
0x68: {  	s10 =	sor.u32 $0x3800, s8;
	s0 =	sadd.s32 s5, s0;
	s9 =	sadd.s32 s7, s9  }
0x69: {  	[tilespmem:s10], [sflag:$0x1] =	stream.strided.gather [hbm4b:s9+s23], $0x400, s24, s23, $0x38;
	[tilespmem:$0x10000] =	vst v63  }
0x6a: {  	s0 =	sadd.s32 s7, s0;
	s10 =	sor.u32 $0x3C00, s8  }
0x6b: {  	[tilespmem:s10], [sflag:$0x1] =	stream.strided.gather [hbm4b:s0+s23], $0x400, s24, s23, $0x38;
	[tilespmem:$0x10000] =	vst v63  }
.LBB1_3:
0x6c: {  	s0 =	sadd.s32 $0xFFFFFFFF, s29  }
0x6d: {  	p1 =	sge.u32 s0, s6  }
.Ltmp3:
0x6e: {  	_ = 	snop;
	(pc) =	sbr.rel @p1 .LBB1_9-.Ltmp3, $1  }
0x6f: {  	_ =	sdelay $0x3  }
0x70: {  	s0 =	simm.s32 $0x1;
	_ =	swait.ge [sflag:s4], $0x4000;
	s8 =	sshll.u32 s29, $0xE  }
0x71: {  	s0 =	simm.s32 @!p0 $0x0;
	[sflag:s4] =	ssyncset.done $0x0;
	s11 =	sand.u32 $0x4000, s8  }
0x72: {  	s8 =	simm.s32 $0x0;
	s0 =	sshll.u32 s0, $0xE;
	[sflag:s4] =	ssyncadd.s32 $0xFFFFC000  }
0x73: {  	s5 =	sor.u32 $0x8020, s0;
	s7 =	sor.u32 $0x20, s0;
	s0 =	sor.u32 $0x8000, s11  }
.LBB1_5:
0x74: {  	v1 =	vmov s7;
	_ =	sdelay $0x3  }
0x75: {  	s9 =	simm.s32 $0x0  }
0x76: {  	v3 =	vld.idx.msk [tilespmem:v1+s9+$0x10 ss:$0x1], $0xffff  }
0x77: {  	v0 =	vmov s5;
	v4 =	vld.idx.msk [tilespmem:v1+s9+$0xFFFFFFE0 ss:$0x1], $0xffff  }
0x78: {  	v2 =	vld.idx.msk [tilespmem:v1+s9+$0xFFFFFFF0 ss:$0x1], $0xffff  }
0x79: {  	s10 =	simm.s32 $0x100;
	v5 =	vld.idx.msk [tilespmem:v1+s9+$0x0 ss:$0x1], $0xffff  }
.LBB1_6:
0x7a: {  	p1 =	sne.s32 s10, $0xF00  }
.Ltmp4:
0x7b: {  	s11 =	sshra.s32 s10, $0x2;
	s10 =	sadd.s32 $0x100, s10;
	(pc) =	sbr.rel @p1 .LBB1_6-.Ltmp4, $4  }
0x7c: {  	[tilespmem:v0+s9+$0x10 ss:$0x1] =	vst.idx.msk $0xffff, v3;
	v3 =	vld.idx.msk [tilespmem:v1+s11+$0x10 ss:$0x1], $0xffff  }
0x7d: {  	[tilespmem:v0+s9+$0xFFFFFFE0 ss:$0x1] =	vst.idx.msk $0xffff, v4;
	v4 =	vld.idx.msk [tilespmem:v1+s11+$0xFFFFFFE0 ss:$0x1], $0xffff  }
0x7e: {  	[tilespmem:v0+s9+$0xFFFFFFF0 ss:$0x1] =	vst.idx.msk $0xffff, v2;
	v2 =	vld.idx.msk [tilespmem:v1+s11+$0xFFFFFFF0 ss:$0x1], $0xffff  }
0x7f: {  	[tilespmem:v0+s9+$0x0 ss:$0x1] =	vst.idx.msk $0xffff, v5;
	v5 =	vld.idx.msk [tilespmem:v1+s11+$0x0 ss:$0x1], $0xffff;
	s9 =	smov.u32 s11  }
0x80: {  	_ = 	snop  }
0x81: {  	s8 =	sadd.s32 $0x1, s8  }
0x82: {  	p1 =	sne.s32 s8, $0x10  }
.Ltmp5:
0x83: {  	_ = 	snop;
	(pc) =	sbr.rel @p1 .LBB1_5-.Ltmp5, $4  }
0x84: {  	[tilespmem:v0+s9+$0x10 ss:$0x1] =	vst.idx.msk $0xffff, v3  }
0x85: {  	[tilespmem:v0+s9+$0xFFFFFFE0 ss:$0x1] =	vst.idx.msk $0xffff, v4  }
0x86: {  	[tilespmem:v0+s9+$0xFFFFFFF0 ss:$0x1] =	vst.idx.msk $0xffff, v2  }
0x87: {  	s5 =	sadd.s32 $0x400, s5;
	s7 =	sadd.s32 $0x400, s7;
	[tilespmem:v0+s9+$0x0 ss:$0x1] =	vst.idx.msk $0xffff, v5  }
0x88: {  	s1 =	smul.u32 $0x2A000, s1;
	s3 =	sshll.u32 s3, $0xC;
	s5 =	rddreg [dreg:$0x2]  }
.Ltmp6:
0x89: {  	s3 =	sadd.s32 s5, s3;
	(pc) =	sbr.rel .LBB1_9-.Ltmp6, $4  }
0x8a: {  	s30 =	smul.u32 $0x3000, s30;
	s7 =	sshll.u32 s31, $0x8;
	s1 =	sadd.s32 s1, s3  }
0x8b: {  	s1 =	sadd.s32 s7, s1  }
0x8c: {  	s11 =	stileid.u32;
	s1 =	sadd.s32 s30, s1  }
0x8d: {  	[hbm4b:s1+s23] =	stream.strided.scatter [tilespmem:s0], [sflag:$0x2], $0x4000, s24, s23, $0x38;
	[tilespmem:$0x10000] =	vst v63  }
.LBB1_10:
0x8e: {  	_ =	sfence.sel $0x180000  }
0x8f: {  	s0 =	simm.s32 $0x1;
	[bflag:$0x0] =	sbarrier.arrive $0xFFFF  }
0x90: {  	s31 =	simm.s32 $0x2;
	[sflag:s0] =	ssyncpa.u1 $0x1  }
0x91: {  	[sflag:s31] =	ssyncpa.u1 $0x1  }
0x92: {  	_ =	strace $0x90000047  }
0x93: {  	[bflag:$0x2] =	sbarrier.arrive $0xFFFF  }
0x94: {  	p0 =	sne.s32 s11, $0x0;
	s0 =	rddreg [dreg:$0x1]  }
0x95: {  	s0 =	sadd.s32 @!p0 $0x100000, s0  }
0x96: {  	[sflag:s0] =	ssyncadd.tile.s32 @!p0 $0x1;
	_ =	shalt  }
.Lfunc_end1:
_tile_overlayer_lowered:
.L_overlay_start_2:
0x97: {  	(tag) =	ssettag $0x2  }
0x98: {  	s0 =	rddreg [dreg:$0x0];
	s2 =	stileid.u32  }
0x99: {  	s1 =	rddreg [dreg:$0x1];
	p0 =	sne.s32 s2, $0x0  }
0x9a: {  	s3 =	rddreg [dreg:$0x2];
	[bflag:$0x3] =	sbarrier.arrive $0xFFFF;
	s2 =	simm.s32 @!p0 $0x1C01  }
0x9b: {  	[timem:s3], [sflag:s2] =	dma.local @!p0 [hbm:s0], s1  }
0x9c: {  	s0 =	simm.s32 @!p0 $0x1  }
0x9d: {  	_ =	swait.ge @!p0 [sflag:s0], s1  }
0x9e: {  	s1 =	ssub.s32 @!p0 $0x0, s1;
	[sflag:s0] =	ssyncset.done @!p0 $0x0  }
0x9f: {  	[sflag:s0] =	ssyncadd.s32 @!p0 s1  }
0xa0: {  	[bflag:$0x3] =	sbarrier.arrive $0xFFFF  }
0xa1: {  	_ =	shalt  }

</sc_bundles>
